<compile_context>
chip_gen: v7x
topology: tpu7x:2x2x1
jax: 0.10.2.dev20260603
libtpu: 0.0.44.dev20260713+nightly
codegen_flags: <defaults>
</compile_context>

<pallas_src>
import functools

import jax
import jax.numpy as jnp
from jax import lax
from jax.experimental import pallas as pl
from jax.experimental.pallas import tpu as pltpu
from jax.experimental.pallas import tpu_sc as plsc

N = 10000
D = 256
DH = 128
E = 160000
G = 64
BN_EPS = 1e-5

_NC = 2
_NS = 16
_EC = E // _NS
_CH = 80
_IB = 64
_NCH = _EC // _CH
_WS = 624
_WT = N - _WS * _NS
_ZR = 16

_PREC = lax.Precision.DEFAULT
_BM = 2000


def _dot(a, b):
    return lax.dot_general(a, b, (((1,), (0,)), ((), ())),
                           preferred_element_type=jnp.float32,
                           precision=_PREC)



@jax.jit
def _sc_agg(h2, src, dst):
    mesh = plsc.VectorSubcoreMesh(core_axis_name="c", subcore_axis_name="s",
                                  num_cores=_NC, num_subcores=_NS)

    @functools.partial(
        pl.kernel,
        out_type=jax.ShapeDtypeStruct((_NC, N, DH), jnp.float32),
        mesh=mesh,
        scratch_types=[
            pltpu.VMEM_SHARED((N, DH), jnp.float32),
            pltpu.VMEM((_ZR, DH), jnp.float32),
            pltpu.VMEM((_IB, _CH), jnp.int32),
            pltpu.VMEM((_IB, _CH), jnp.int32),
            pltpu.VMEM((_CH, DH), jnp.float32),
            pltpu.VMEM((_CH, DH), jnp.float32),
            pltpu.SemaphoreType.DMA,
            pltpu.SemaphoreType.DMA,
            pltpu.SemaphoreType.DMA,
            pltpu.SemaphoreType.DMA,
        ],
    )
    def k(h2_hbm, src_hbm, dst_hbm, out_hbm, acc_sh, zbuf, src_v, dst_v,
          rows0, rows1, semg0, semg1, sems0, sems1):
        c = lax.axis_index("c")
        s = lax.axis_index("s")

        zv = jnp.zeros((16,), jnp.float32)

        @pl.loop(0, _ZR)
        def _(r):
            @pl.loop(0, DH, step=16)
            def _(cc):
                zbuf.at[pl.ds(r, 1), pl.ds(cc, 16)][...] = zv.reshape(1, 16)

        @pl.loop(0, _WS, step=_ZR)
        def _(r0):
            pltpu.async_copy(zbuf, acc_sh.at[pl.ds(s * _WS + r0, _ZR)], sems0)

        @pl.when(s == 0)
        def _():
            pltpu.async_copy(zbuf, acc_sh.at[pl.ds(_WS * _NS, _WT)],
                             sems1)

        @pl.loop(0, _WS, step=_ZR)
        def _(r0):
            pltpu.make_async_copy(zbuf, acc_sh.at[pl.ds(s * _WS + r0, _ZR)],
                                  sems0).wait()

        @pl.when(s == 0)
        def _():
            pltpu.make_async_copy(zbuf, acc_sh.at[pl.ds(_WS * _NS, _WT)],
                                  sems1).wait()

        plsc.subcore_barrier()

        def start_gather(j, rows, semg):
            pltpu.async_copy(h2_hbm.at[c].at[src_v.at[j]], rows, semg)

        def wait_gather(j, rows, semg):
            pltpu.make_async_copy(h2_hbm.at[c].at[src_v.at[j]], rows,
                                  semg).wait()

        def start_scatter(j, rows, sems):
            pltpu.async_copy(rows, acc_sh.at[dst_v.at[j]], sems, add=True)

        def wait_scatter(j, rows, sems):
            pltpu.make_async_copy(rows, acc_sh.at[dst_v.at[j]], sems).wait()

        def pipeline_block(off, n):
            pltpu.sync_copy(src_hbm.at[s].at[pl.ds(off, n)],
                            src_v.at[pl.ds(0, n)])
            pltpu.sync_copy(dst_hbm.at[s].at[pl.ds(off, n)],
                            dst_v.at[pl.ds(0, n)])
            start_gather(0, rows0, semg0)
            p = (n - 1) // 2

            @pl.loop(0, p)
            def _(jj):
                base = 2 * jj
                @pl.when(jj > 0)
                def _():
                    wait_scatter(base - 1, rows1, sems1)

                start_gather(base + 1, rows1, semg1)
                wait_gather(base, rows0, semg0)
                start_scatter(base, rows0, sems0)
                wait_scatter(base, rows0, sems0)
                start_gather(base + 2, rows0, semg0)
                wait_gather(base + 1, rows1, semg1)
                start_scatter(base + 1, rows1, sems1)

            if p > 0:
                wait_scatter(2 * p - 1, rows1, sems1)
            wait_gather(2 * p, rows0, semg0)
            if n - 2 * p == 2:
                start_gather(2 * p + 1, rows1, semg1)
            start_scatter(2 * p, rows0, sems0)
            wait_scatter(2 * p, rows0, sems0)
            if n - 2 * p == 2:
                wait_gather(2 * p + 1, rows1, semg1)
                start_scatter(2 * p + 1, rows1, sems1)
                wait_scatter(2 * p + 1, rows1, sems1)

        pipeline_block(0, _IB)
        pipeline_block(_IB, _NCH - _IB)

        plsc.subcore_barrier()
        pltpu.sync_copy(acc_sh.at[pl.ds(s * _WS, _WS)],
                        out_hbm.at[c].at[pl.ds(s * _WS, _WS)])

        @pl.when(s == 0)
        def _():
            pltpu.sync_copy(acc_sh.at[pl.ds(_WS * _NS, _WT)],
                            out_hbm.at[c].at[pl.ds(_WS * _NS, _WT)])

    return k(h2, src, dst)



def _mm1_phase(h2_ref, agg2_ref, w1_ref, b1_ref, z_s, st_s, m):
    hb = jnp.concatenate([h2_ref[0] + agg2_ref[0], h2_ref[1] + agg2_ref[1]],
                         axis=1)
    z = _dot(hb, w1_ref[...]) + b1_ref[...]
    z_s[pl.ds(m * _BM, _BM), :] = z
    st = jnp.stack([jnp.sum(z, axis=0), jnp.sum(z * z, axis=0)])

    @pl.when(m == 0)
    def _():
        st_s[...] = st

    @pl.when(m > 0)
    def _():
        st_s[...] += st


def _mm2_phase(w2_ref, b2_ref, g1_ref, beta1_ref, z_s, st_s, m):
    st = st_s[...]
    mean = st[0:1] / N
    var = st[1:2] / N - mean * mean
    z = z_s[pl.ds(m * _BM, _BM), :]
    a = jnp.maximum((z - mean) / jnp.sqrt(var + BN_EPS)
                    * g1_ref[...] + beta1_ref[...], 0.0)
    return jnp.maximum(_dot(a, w2_ref[...]) + b2_ref[...], 0.0)


def _layer0_body(h2_ref, agg2_ref, w1_ref, b1_ref, g1_ref, beta1_ref,
                 w2_ref, b2_ref, h2o_ref, z_s, st_s):
    ph, m = pl.program_id(0), pl.program_id(1)

    @pl.when(ph == 0)
    def _():
        _mm1_phase(h2_ref, agg2_ref, w1_ref, b1_ref, z_s, st_s, m)

    @pl.when(ph == 1)
    def _():
        o = _mm2_phase(w2_ref, b2_ref, g1_ref, beta1_ref, z_s, st_s, m)
        h2o_ref[0] = o[:, :DH]
        h2o_ref[1] = o[:, DH:]


def _layer0(h2, agg2, w1, b1, g1, beta1, w2, b2):
    nb = N // _BM
    return pl.pallas_call(
        _layer0_body,
        grid=(2, nb),
        in_specs=[
            pl.BlockSpec((_NC, _BM, DH), lambda ph, m: (0, m * (1 - ph), 0)),
            pl.BlockSpec((_NC, _BM, DH), lambda ph, m: (0, m * (1 - ph), 0)),
            pl.BlockSpec((D, D), lambda ph, m: (0, 0)),
            pl.BlockSpec((1, D), lambda ph, m: (0, 0)),
            pl.BlockSpec((1, D), lambda ph, m: (0, 0)),
            pl.BlockSpec((1, D), lambda ph, m: (0, 0)),
            pl.BlockSpec((D, D), lambda ph, m: (0, 0)),
            pl.BlockSpec((1, D), lambda ph, m: (0, 0)),
        ],
        out_specs=pl.BlockSpec((_NC, _BM, DH), lambda ph, m: (0, m * ph, 0)),
        out_shape=jax.ShapeDtypeStruct((_NC, N, DH), jnp.float32),
        scratch_shapes=[
            pltpu.VMEM((N, D), jnp.float32),
            pltpu.VMEM((2, D), jnp.float32),
        ],
    )(h2, agg2, w1, b1, g1, beta1, w2, b2)


def _layer1_pool_body(h2_ref, agg2_ref, b3_ref, w1_ref, b1_ref, g1_ref,
                      beta1_ref, w2_ref, b2_ref, sums_ref, cnt_ref, z_s, st_s):
    ph, m = pl.program_id(0), pl.program_id(1)

    @pl.when(ph == 0)
    def _():
        _mm1_phase(h2_ref, agg2_ref, w1_ref, b1_ref, z_s, st_s, m)

    @pl.when(ph == 1)
    def _():
        o = _mm2_phase(w2_ref, b2_ref, g1_ref, beta1_ref, z_s, st_s, m)
        row = b3_ref[0].astype(jnp.int32)
        seg = lax.broadcasted_iota(jnp.int32, (G, _BM), 0)
        oh = (row == seg).astype(jnp.float32)
        ps = lax.dot_general(oh, o, (((1,), (0,)), ((), ())),
                             preferred_element_type=jnp.float32,
                             precision=lax.Precision.HIGHEST)
        pc = jnp.broadcast_to(jnp.sum(oh, axis=1, keepdims=True), (G, DH))

        @pl.when(m == 0)
        def _():
            sums_ref[...] = ps
            cnt_ref[...] = pc

        @pl.when(m > 0)
        def _():
            sums_ref[...] += ps
            cnt_ref[...] += pc


def _layer1_pool(h2, agg2, batch3, w1, b1, g1, beta1, w2, b2):
    nb = N // _BM
    return pl.pallas_call(
        _layer1_pool_body,
        grid=(2, nb),
        in_specs=[
            pl.BlockSpec((_NC, _BM, DH), lambda ph, m: (0, m * (1 - ph), 0)),
            pl.BlockSpec((_NC, _BM, DH), lambda ph, m: (0, m * (1 - ph), 0)),
            pl.BlockSpec((1, 1, _BM), lambda ph, m: (m * ph, 0, 0)),
            pl.BlockSpec((D, D), lambda ph, m: (0, 0)),
            pl.BlockSpec((1, D), lambda ph, m: (0, 0)),
            pl.BlockSpec((1, D), lambda ph, m: (0, 0)),
            pl.BlockSpec((1, D), lambda ph, m: (0, 0)),
            pl.BlockSpec((D, D), lambda ph, m: (0, 0)),
            pl.BlockSpec((1, D), lambda ph, m: (0, 0)),
        ],
        out_specs=[
            pl.BlockSpec((G, D), lambda ph, m: (0, 0)),
            pl.BlockSpec((G, DH), lambda ph, m: (0, 0)),
        ],
        out_shape=[
            jax.ShapeDtypeStruct((G, D), jnp.float32),
            jax.ShapeDtypeStruct((G, DH), jnp.float32),
        ],
        scratch_shapes=[
            pltpu.VMEM((N, D), jnp.float32),
            pltpu.VMEM((2, D), jnp.float32),
        ],
    )(h2, agg2, batch3, w1, b1, g1, beta1, w2, b2)


def _final_body(sums_ref, cnt_ref, w1_ref, b1_ref, g1_ref, beta1_ref,
                w2_ref, b2_ref, out_ref):
    cnt = cnt_ref[...][:, 0:1]
    pooled = sums_ref[...] / jnp.maximum(cnt, 1.0)
    u = _dot(pooled, w1_ref[...]) + b1_ref[...]
    mean = jnp.mean(u, axis=0, keepdims=True)
    var = jnp.mean(u * u, axis=0, keepdims=True) - mean * mean
    un = (u - mean) / jnp.sqrt(var + BN_EPS) * g1_ref[...] + beta1_ref[...]
    out_ref[...] = _dot(jnp.maximum(un, 0.0), w2_ref[...]) + b2_ref[...]


def _final(sums, cnt, w1, b1, g1, beta1, w2, b2):
    return pl.pallas_call(
        _final_body,
        out_shape=jax.ShapeDtypeStruct((G, D), jnp.float32),
    )(sums, cnt, w1, b1, g1, beta1, w2, b2)



def kernel(x, edge_index, edge_attr, batch,
           conv0_w1, conv0_b1, conv0_g1, conv0_beta1, conv0_w2, conv0_b2,
           conv1_w1, conv1_b1, conv1_g1, conv1_beta1, conv1_w2, conv1_b2,
           final_w1, final_b1, final_g1, final_beta1, final_w2, final_b2):
    src = edge_index[0].astype(jnp.int32).reshape(_NS, _NCH, _CH)
    dst = edge_index[1].astype(jnp.int32).reshape(_NS, _NCH, _CH)
    batch3 = batch.astype(jnp.int32).reshape(N // _BM, 1, _BM)

    r2 = lambda v: v.reshape(1, D)
    x2 = jnp.stack([x[:, :DH], x[:, DH:]])

    agg0 = _sc_agg(x2, src, dst)
    h2 = _layer0(x2, agg0, conv0_w1, r2(conv0_b1), r2(conv0_g1),
                 r2(conv0_beta1), conv0_w2, r2(conv0_b2))
    agg1 = _sc_agg(h2, src, dst)
    sums, cnt = _layer1_pool(h2, agg1, batch3, conv1_w1, r2(conv1_b1),
                             r2(conv1_g1), r2(conv1_beta1), conv1_w2,
                             r2(conv1_b2))
    return _final(sums, cnt, final_w1, r2(final_b1), r2(final_g1),
                  r2(final_beta1), final_w2, r2(final_b2))

# --- scband reference (transcript-rebuilt; emitter-appended) ---
"""Pipeline reference for scband-gin-22625887715636 (READ-ONLY COPY).

The authoritative reference and input builder live on the scoring server;
editing this copy changes nothing except your own understanding.
"""

import jax, jax.numpy as jnp
import numpy as np

N = 10000
E = 160000
D = 256
H = 256
O = 256
G = 64
BN_EPS = 1e-5


def setup_inputs(seed: int = 0) -> dict:
    key = jax.random.key(seed)
    ks = jax.random.split(key, 20)
    inp = {}
    inp["x"] = jax.random.normal(ks[0], (N, D), dtype=jnp.float32)
    inp["edge_index"] = jax.random.randint(ks[1], (2, E), 0, N, dtype=jnp.int64)
    inp["edge_attr"] = jax.random.normal(ks[2], (E, 4), dtype=jnp.float32)
    inp["batch"] = jnp.sort(jax.random.randint(ks[3], (N,), 0, G, dtype=jnp.int64))
    # GINConv MLPs: MLP([in, H, H]) = Linear -> BN -> ReLU -> Linear (plain last)
    dims = [(D, H), (H, H)]
    k_idx = 4
    for i, (din, dh) in enumerate(dims):
        inp[f"conv{i}_w1"] = jax.random.normal(ks[k_idx], (din, dh), dtype=jnp.float32) / np.sqrt(din); k_idx += 1
        inp[f"conv{i}_b1"] = jnp.zeros((dh,), dtype=jnp.float32)
        inp[f"conv{i}_g1"] = jnp.ones((dh,), dtype=jnp.float32)
        inp[f"conv{i}_beta1"] = jnp.zeros((dh,), dtype=jnp.float32)
        inp[f"conv{i}_w2"] = jax.random.normal(ks[k_idx], (dh, dh), dtype=jnp.float32) / np.sqrt(dh); k_idx += 1
        inp[f"conv{i}_b2"] = jnp.zeros((dh,), dtype=jnp.float32)
    # final MLP: MLP([H, H, O])
    inp["final_w1"] = jax.random.normal(ks[k_idx], (H, H), dtype=jnp.float32) / np.sqrt(H); k_idx += 1
    inp["final_b1"] = jnp.zeros((H,), dtype=jnp.float32)
    inp["final_g1"] = jnp.ones((H,), dtype=jnp.float32)
    inp["final_beta1"] = jnp.zeros((H,), dtype=jnp.float32)
    inp["final_w2"] = jax.random.normal(ks[k_idx], (H, O), dtype=jnp.float32) / np.sqrt(H); k_idx += 1
    inp["final_b2"] = jnp.zeros((O,), dtype=jnp.float32)
    return inp


def _bn(h, g, b):
    mean = jnp.mean(h, axis=0, keepdims=True)
    var = jnp.var(h, axis=0, keepdims=True)
    return (h - mean) / jnp.sqrt(var + BN_EPS) * g + b


def _mlp(h, w1, b1, g1, beta1, w2, b2):
    h = h @ w1 + b1
    h = _bn(h, g1, beta1)
    h = jax.nn.relu(h)
    return h @ w2 + b2


def reference(x, edge_index, edge_attr, batch,
              conv0_w1, conv0_b1, conv0_g1, conv0_beta1, conv0_w2, conv0_b2,
              conv1_w1, conv1_b1, conv1_g1, conv1_beta1, conv1_w2, conv1_b2,
              final_w1, final_b1, final_g1, final_beta1, final_w2, final_b2):
    src = edge_index[0]
    dst = edge_index[1]
    conv_params = [
        (conv0_w1, conv0_b1, conv0_g1, conv0_beta1, conv0_w2, conv0_b2),
        (conv1_w1, conv1_b1, conv1_g1, conv1_beta1, conv1_w2, conv1_b2),
    ]
    h = x
    for p in conv_params:
        # GINConv (eps=0): nn((1+eps)*x_i + sum_{j->i} x_j)
        agg = jnp.zeros_like(h).at[dst].add(h[src])
        h = _mlp(h + agg, *p)
        h = jax.nn.relu(h)
    # global_mean_pool
    sums = jax.ops.segment_sum(h, batch, num_segments=G)
    counts = jax.ops.segment_sum(jnp.ones((h.shape[0],), dtype=h.dtype), batch, num_segments=G)
    pooled = sums / jnp.maximum(counts, 1.0)[:, None]
    out = _mlp(pooled, final_w1, final_b1, final_g1, final_beta1, final_w2, final_b2)
    return out

if __name__ == "__main__":
    import jax
    _d = setup_inputs()
    print(jax.jit(kernel)(*tuple(_d.values())))

</pallas_src>

<mosaic_0001>
#map = affine_map<(d0, d1) -> (0, 0, 0)>
module attributes {stable_mosaic.version = 14 : i64} {
  func.func @k(%arg0: i32, %arg1: i32, %arg2: memref<2x10000x128xf32, #tpu.memory_space<hbm>>, %arg3: memref<16x125x80xi32, #tpu.memory_space<hbm>>, %arg4: memref<16x125x80xi32, #tpu.memory_space<hbm>>, %arg5: memref<2x10000x128xf32, #tpu.memory_space<hbm>>, %arg6: memref<10000x128xf32, #tpu.memory_space<vmem_shared>>, %arg7: memref<16x128xf32, #tpu.memory_space<vmem>>, %arg8: memref<64x80xi32, #tpu.memory_space<vmem>>, %arg9: memref<64x80xi32, #tpu.memory_space<vmem>>, %arg10: memref<80x128xf32, #tpu.memory_space<vmem>>, %arg11: memref<80x128xf32, #tpu.memory_space<vmem>>, %arg12: memref<!tpu.dma_semaphore, #tpu.memory_space<semaphore_mem>>, %arg13: memref<!tpu.dma_semaphore, #tpu.memory_space<semaphore_mem>>, %arg14: memref<!tpu.dma_semaphore, #tpu.memory_space<semaphore_mem>>, %arg15: memref<!tpu.dma_semaphore, #tpu.memory_space<semaphore_mem>>) attributes {dimension_semantics = [#tpu.dimension_semantics<core_parallel>, #tpu.dimension_semantics<subcore_parallel>], iteration_bounds = array<i64: 2, 16>, scalar_prefetch = 0 : i64, scratch_operands = 10 : i64, tpu.core_type = #tpu.core_type<sc_vector_subcore>, window_params = [{transform_indices = #map}, {transform_indices = #map}, {transform_indices = #map}, {transform_indices = #map}]} {
    %broadcast_in_dim3A = arith.constant 0.000000e+00 : f32
    %broadcast_in_dim3A_0 = vector.broadcast %broadcast_in_dim3A : f32 to vector<16xf32>
    %scan3A = arith.constant 0 : i32
    %scan3A_1 = arith.constant 16 : i32
    %scan3A_2 = arith.addi %scan3A, %scan3A_1 : i32
    %scan3A_3 = arith.constant 1 : i32
    scf.for %scan3A_161 = %scan3A to %scan3A_2 step %scan3A_3  : i32 {
      %mul3A_162 = arith.constant 1 : i32
      %mul3A_163 = arith.muli %scan3A_161, %mul3A_162 : i32
      %add3A = arith.constant 0 : i32
      %add3A_164 = arith.addi %add3A, %mul3A_163 : i32
      %scan3A_165 = arith.constant 0 : i32
      %scan3A_166 = arith.constant 8 : i32
      %scan3A_167 = arith.addi %scan3A_165, %scan3A_166 : i32
      %scan3A_168 = arith.constant 1 : i32
      scf.for %scan3A_170 = %scan3A_165 to %scan3A_167 step %scan3A_168  : i32 {
        %mul3A_171 = arith.constant 16 : i32
        %mul3A_172 = arith.muli %scan3A_170, %mul3A_171 : i32
        %add3A_173 = arith.constant 0 : i32
        %add3A_174 = arith.addi %add3A_173, %mul3A_172 : i32
        %reshape3A = vector.shape_cast %broadcast_in_dim3A_0 : vector<16xf32> to vector<1x16xf32>
        %swap3A = arith.index_cast %add3A_164 : i32 to index
        %swap3A_175 = arith.index_cast %add3A_174 : i32 to index
        %swap3A_176 = tpu.vector_load %arg7[%swap3A, %swap3A_175] {strides = array<i32>} : memref<16x128xf32, #tpu.memory_space<vmem>>, vector<1x16xf32>,
        %swap3A_177 = vector.shape_cast %swap3A_176 : vector<1x16xf32> to vector<1x16xf32>
        %swap3A_178 = vector.shape_cast %reshape3A : vector<1x16xf32> to vector<1x16xf32>
        tpu.vector_store %arg7[%swap3A, %swap3A_175], %swap3A_178 {strides = array<i32>} : memref<16x128xf32, #tpu.memory_space<vmem>>, vector<1x16xf32>,
      }
      %scan3A_169 = arith.constant 8 : i32
    }
    %scan3A_4 = arith.constant 16 : i32
    %scan3A_5 = arith.constant 0 : i32
    %scan3A_6 = arith.constant 39 : i32
    %scan3A_7 = arith.addi %scan3A_5, %scan3A_6 : i32
    %scan3A_8 = arith.constant 1 : i32
    scf.for %scan3A_161 = %scan3A_5 to %scan3A_7 step %scan3A_8  : i32 {
      %mul3A_162 = arith.constant 16 : i32
      %mul3A_163 = arith.muli %scan3A_161, %mul3A_162 : i32
      %add3A = arith.constant 0 : i32
      %add3A_164 = arith.addi %add3A, %mul3A_163 : i32
      %mul3A_165 = arith.constant 624 : i32
      %mul3A_166 = arith.muli %arg1, %mul3A_165 : i32
      %add3A_167 = arith.addi %mul3A_166, %add3A_164 : i32
      %dma_start3A_168 = arith.constant 0 : i32
      %dma_start3A_169 = tpu.memref_slice %arg6[%add3A_167, %dma_start3A_168] : memref<10000x128xf32, #tpu.memory_space<vmem_shared>> -> memref<16x128xf32, #tpu.memory_space<vmem_shared>>
      %dma_start3A_170 = arith.constant 0 : i32
      %dma_start3A_171 = tpu.memref_slice %arg6[%add3A_167, %dma_start3A_170] : memref<10000x128xf32, #tpu.memory_space<vmem_shared>> -> memref<16x128xf32, #tpu.memory_space<vmem_shared>>
      tpu.enqueue_dma source(%arg7 : memref<16x128xf32, #tpu.memory_space<vmem>>) target(%dma_start3A_171 : memref<16x128xf32, #tpu.memory_space<vmem_shared>>) target_semaphore(%arg14 : memref<!tpu.dma_semaphore, #tpu.memory_space<semaphore_mem>>)
    }
    %scan3A_9 = arith.constant 39 : i32
    %eq3A = arith.constant 0 : i32
    %eq3A_10 = arith.cmpi eq, %arg1, %eq3A : i32
    %convert_element_type3A = arith.extui %eq3A_10 : i1 to i32
    %cond3A = arith.constant 0 : i32
    %cond3A_11 = arith.cmpi ne, %convert_element_type3A, %cond3A : i32
    scf.if %cond3A_11 {
      %dma_start3A_161 = arith.constant 9984 : i32
      %dma_start3A_162 = arith.constant 0 : i32
      %dma_start3A_163 = tpu.memref_slice %arg6[%dma_start3A_161, %dma_start3A_162] : memref<10000x128xf32, #tpu.memory_space<vmem_shared>> -> memref<16x128xf32, #tpu.memory_space<vmem_shared>>
      %dma_start3A_164 = arith.constant 9984 : i32
      %dma_start3A_165 = arith.constant 0 : i32
      %dma_start3A_166 = tpu.memref_slice %arg6[%dma_start3A_164, %dma_start3A_165] : memref<10000x128xf32, #tpu.memory_space<vmem_shared>> -> memref<16x128xf32, #tpu.memory_space<vmem_shared>>
      tpu.enqueue_dma source(%arg7 : memref<16x128xf32, #tpu.memory_space<vmem>>) target(%dma_start3A_166 : memref<16x128xf32, #tpu.memory_space<vmem_shared>>) target_semaphore(%arg15 : memref<!tpu.dma_semaphore, #tpu.memory_space<semaphore_mem>>)
    } else {
    }
    %scan3A_12 = arith.constant 0 : i32
    %scan3A_13 = arith.constant 39 : i32
    %scan3A_14 = arith.addi %scan3A_12, %scan3A_13 : i32
    %scan3A_15 = arith.constant 1 : i32
    scf.for %scan3A_161 = %scan3A_12 to %scan3A_14 step %scan3A_15  : i32 {
      %mul3A_162 = arith.constant 16 : i32
      %mul3A_163 = arith.muli %scan3A_161, %mul3A_162 : i32
      %add3A = arith.constant 0 : i32
      %add3A_164 = arith.addi %add3A, %mul3A_163 : i32
      %mul3A_165 = arith.constant 624 : i32
      %mul3A_166 = arith.muli %arg1, %mul3A_165 : i32
      %add3A_167 = arith.addi %mul3A_166, %add3A_164 : i32
      %dma_wait3A_168 = arith.constant 0 : i32
      %dma_wait3A_169 = tpu.memref_slice %arg6[%add3A_167, %dma_wait3A_168] : memref<10000x128xf32, #tpu.memory_space<vmem_shared>> -> memref<16x128xf32, #tpu.memory_space<vmem_shared>>
      %dma_wait3A_170 = arith.constant 0 : i32
      %dma_wait3A_171 = tpu.memref_slice %arg6[%add3A_167, %dma_wait3A_170] : memref<10000x128xf32, #tpu.memory_space<vmem_shared>> -> memref<16x128xf32, #tpu.memory_space<vmem_shared>>
      tpu.wait_dma2 semaphore(%arg14 : memref<!tpu.dma_semaphore, #tpu.memory_space<semaphore_mem>>) src(%arg7 : memref<16x128xf32, #tpu.memory_space<vmem>>) dst(%dma_wait3A_171 : memref<16x128xf32, #tpu.memory_space<vmem_shared>>)
    }
    %scan3A_16 = arith.constant 39 : i32
    %eq3A_17 = arith.constant 0 : i32
    %eq3A_18 = arith.cmpi eq, %arg1, %eq3A_17 : i32
    %convert_element_type3A_19 = arith.extui %eq3A_18 : i1 to i32
    %cond3A_20 = arith.constant 0 : i32
    %cond3A_21 = arith.cmpi ne, %convert_element_type3A_19, %cond3A_20 : i32
    scf.if %cond3A_21 {
      %dma_wait3A_161 = arith.constant 9984 : i32
      %dma_wait3A_162 = arith.constant 0 : i32
      %dma_wait3A_163 = tpu.memref_slice %arg6[%dma_wait3A_161, %dma_wait3A_162] : memref<10000x128xf32, #tpu.memory_space<vmem_shared>> -> memref<16x128xf32, #tpu.memory_space<vmem_shared>>
      %dma_wait3A_164 = arith.constant 9984 : i32
      %dma_wait3A_165 = arith.constant 0 : i32
      %dma_wait3A_166 = tpu.memref_slice %arg6[%dma_wait3A_164, %dma_wait3A_165] : memref<10000x128xf32, #tpu.memory_space<vmem_shared>> -> memref<16x128xf32, #tpu.memory_space<vmem_shared>>
      tpu.wait_dma2 semaphore(%arg15 : memref<!tpu.dma_semaphore, #tpu.memory_space<semaphore_mem>>) src(%arg7 : memref<16x128xf32, #tpu.memory_space<vmem>>) dst(%dma_wait3A_166 : memref<16x128xf32, #tpu.memory_space<vmem_shared>>)
    } else {
    }
    %barrier3A = arith.constant 0 : index
    tpu.barrier barrier_id(%barrier3A)
    "tpu.region"() ({
      %run_scoped3A = tpu.sem_alloc : memref<!tpu.dma_semaphore, #tpu.memory_space<semaphore_mem>>
      %dma_start3A_161 = arith.constant 0 : i32
      %dma_start3A_162 = arith.constant 0 : i32
      %dma_start3A_163 = tpu.memref_slice %arg8[%dma_start3A_161, %dma_start3A_162] : memref<64x80xi32, #tpu.memory_space<vmem>> -> memref<64x80xi32, #tpu.memory_space<vmem>>
      %dma_start3A_164 = arith.constant 0 : i32
      %dma_start3A_165 = arith.constant 0 : i32
      %dma_start3A_166 = tpu.memref_slice %arg3[%arg1, %dma_start3A_164, %dma_start3A_165] : memref<16x125x80xi32, #tpu.memory_space<hbm>> -> memref<1x125x80xi32, #tpu.memory_space<hbm>>
      %dma_start3A_167 = tpu.memref_squeeze %dma_start3A_166 : memref<1x125x80xi32, #tpu.memory_space<hbm>> -> memref<125x80xi32, #tpu.memory_space<hbm>>
      %dma_start3A_168 = arith.constant 0 : i32
      %dma_start3A_169 = arith.constant 0 : i32
      %dma_start3A_170 = tpu.memref_slice %dma_start3A_167[%dma_start3A_168, %dma_start3A_169] : memref<125x80xi32, #tpu.memory_space<hbm>> -> memref<64x80xi32, #tpu.memory_space<hbm>>
      %dma_start3A_171 = arith.constant 0 : i32
      %dma_start3A_172 = arith.constant 0 : i32
      %dma_start3A_173 = tpu.memref_slice %arg8[%dma_start3A_171, %dma_start3A_172] : memref<64x80xi32, #tpu.memory_space<vmem>> -> memref<64x80xi32, #tpu.memory_space<vmem>>
      %dma_start3A_174 = arith.constant 0 : i32
      %dma_start3A_175 = arith.constant 0 : i32
      %dma_start3A_176 = tpu.memref_slice %arg3[%arg1, %dma_start3A_174, %dma_start3A_175] : memref<16x125x80xi32, #tpu.memory_space<hbm>> -> memref<1x125x80xi32, #tpu.memory_space<hbm>>
      %dma_start3A_177 = tpu.memref_squeeze %dma_start3A_176 : memref<1x125x80xi32, #tpu.memory_space<hbm>> -> memref<125x80xi32, #tpu.memory_space<hbm>>
      %dma_start3A_178 = arith.constant 0 : i32
      %dma_start3A_179 = arith.constant 0 : i32
      %dma_start3A_180 = tpu.memref_slice %dma_start3A_177[%dma_start3A_178, %dma_start3A_179] : memref<125x80xi32, #tpu.memory_space<hbm>> -> memref<64x80xi32, #tpu.memory_space<hbm>>
      tpu.enqueue_dma source(%dma_start3A_180 : memref<64x80xi32, #tpu.memory_space<hbm>>) target(%dma_start3A_173 : memref<64x80xi32, #tpu.memory_space<vmem>>) target_semaphore(%run_scoped3A : memref<!tpu.dma_semaphore, #tpu.memory_space<semaphore_mem>>)
      %dma_wait3A_181 = arith.constant 0 : i32
      %dma_wait3A_182 = arith.constant 0 : i32
      %dma_wait3A_183 = tpu.memref_slice %arg8[%dma_wait3A_181, %dma_wait3A_182] : memref<64x80xi32, #tpu.memory_space<vmem>> -> memref<64x80xi32, #tpu.memory_space<vmem>>
      %dma_wait3A_184 = arith.constant 0 : i32
      %dma_wait3A_185 = arith.constant 0 : i32
      %dma_wait3A_186 = tpu.memref_slice %arg3[%arg1, %dma_wait3A_184, %dma_wait3A_185] : memref<16x125x80xi32, #tpu.memory_space<hbm>> -> memref<1x125x80xi32, #tpu.memory_space<hbm>>
      %dma_wait3A_187 = tpu.memref_squeeze %dma_wait3A_186 : memref<1x125x80xi32, #tpu.memory_space<hbm>> -> memref<125x80xi32, #tpu.memory_space<hbm>>
      %dma_wait3A_188 = arith.constant 0 : i32
      %dma_wait3A_189 = arith.constant 0 : i32
      %dma_wait3A_190 = tpu.memref_slice %dma_wait3A_187[%dma_wait3A_188, %dma_wait3A_189] : memref<125x80xi32, #tpu.memory_space<hbm>> -> memref<64x80xi32, #tpu.memory_space<hbm>>
      %dma_wait3A_191 = arith.constant 0 : i32
      %dma_wait3A_192 = arith.constant 0 : i32
      %dma_wait3A_193 = tpu.memref_slice %arg8[%dma_wait3A_191, %dma_wait3A_192] : memref<64x80xi32, #tpu.memory_space<vmem>> -> memref<64x80xi32, #tpu.memory_space<vmem>>
      %dma_wait3A_194 = arith.constant 0 : i32
      %dma_wait3A_195 = arith.constant 0 : i32
      %dma_wait3A_196 = tpu.memref_slice %arg3[%arg1, %dma_wait3A_194, %dma_wait3A_195] : memref<16x125x80xi32, #tpu.memory_space<hbm>> -> memref<1x125x80xi32, #tpu.memory_space<hbm>>
      %dma_wait3A_197 = tpu.memref_squeeze %dma_wait3A_196 : memref<1x125x80xi32, #tpu.memory_space<hbm>> -> memref<125x80xi32, #tpu.memory_space<hbm>>
      %dma_wait3A_198 = arith.constant 0 : i32
      %dma_wait3A_199 = arith.constant 0 : i32
      %dma_wait3A_200 = tpu.memref_slice %dma_wait3A_197[%dma_wait3A_198, %dma_wait3A_199] : memref<125x80xi32, #tpu.memory_space<hbm>> -> memref<64x80xi32, #tpu.memory_space<hbm>>
      tpu.wait_dma2 semaphore(%run_scoped3A : memref<!tpu.dma_semaphore, #tpu.memory_space<semaphore_mem>>) src(%dma_wait3A_200 : memref<64x80xi32, #tpu.memory_space<hbm>>) dst(%dma_wait3A_193 : memref<64x80xi32, #tpu.memory_space<vmem>>)
      tpu.yield
    }) : () -> ()
    "tpu.region"() ({
      %run_scoped3A = tpu.sem_alloc : memref<!tpu.dma_semaphore, #tpu.memory_space<semaphore_mem>>
      %dma_start3A_161 = arith.constant 0 : i32
      %dma_start3A_162 = arith.constant 0 : i32
      %dma_start3A_163 = tpu.memref_slice %arg9[%dma_start3A_161, %dma_start3A_162] : memref<64x80xi32, #tpu.memory_space<vmem>> -> memref<64x80xi32, #tpu.memory_space<vmem>>
      %dma_start3A_164 = arith.constant 0 : i32
      %dma_start3A_165 = arith.constant 0 : i32
      %dma_start3A_166 = tpu.memref_slice %arg4[%arg1, %dma_start3A_164, %dma_start3A_165] : memref<16x125x80xi32, #tpu.memory_space<hbm>> -> memref<1x125x80xi32, #tpu.memory_space<hbm>>
      %dma_start3A_167 = tpu.memref_squeeze %dma_start3A_166 : memref<1x125x80xi32, #tpu.memory_space<hbm>> -> memref<125x80xi32, #tpu.memory_space<hbm>>
      %dma_start3A_168 = arith.constant 0 : i32
      %dma_start3A_169 = arith.constant 0 : i32
      %dma_start3A_170 = tpu.memref_slice %dma_start3A_167[%dma_start3A_168, %dma_start3A_169] : memref<125x80xi32, #tpu.memory_space<hbm>> -> memref<64x80xi32, #tpu.memory_space<hbm>>
      %dma_start3A_171 = arith.constant 0 : i32
      %dma_start3A_172 = arith.constant 0 : i32
      %dma_start3A_173 = tpu.memref_slice %arg9[%dma_start3A_171, %dma_start3A_172] : memref<64x80xi32, #tpu.memory_space<vmem>> -> memref<64x80xi32, #tpu.memory_space<vmem>>
      %dma_start3A_174 = arith.constant 0 : i32
      %dma_start3A_175 = arith.constant 0 : i32
      %dma_start3A_176 = tpu.memref_slice %arg4[%arg1, %dma_start3A_174, %dma_start3A_175] : memref<16x125x80xi32, #tpu.memory_space<hbm>> -> memref<1x125x80xi32, #tpu.memory_space<hbm>>
      %dma_start3A_177 = tpu.memref_squeeze %dma_start3A_176 : memref<1x125x80xi32, #tpu.memory_space<hbm>> -> memref<125x80xi32, #tpu.memory_space<hbm>>
      %dma_start3A_178 = arith.constant 0 : i32
      %dma_start3A_179 = arith.constant 0 : i32
      %dma_start3A_180 = tpu.memref_slice %dma_start3A_177[%dma_start3A_178, %dma_start3A_179] : memref<125x80xi32, #tpu.memory_space<hbm>> -> memref<64x80xi32, #tpu.memory_space<hbm>>
      tpu.enqueue_dma source(%dma_start3A_180 : memref<64x80xi32, #tpu.memory_space<hbm>>) target(%dma_start3A_173 : memref<64x80xi32, #tpu.memory_space<vmem>>) target_semaphore(%run_scoped3A : memref<!tpu.dma_semaphore, #tpu.memory_space<semaphore_mem>>)
      %dma_wait3A_181 = arith.constant 0 : i32
      %dma_wait3A_182 = arith.constant 0 : i32
      %dma_wait3A_183 = tpu.memref_slice %arg9[%dma_wait3A_181, %dma_wait3A_182] : memref<64x80xi32, #tpu.memory_space<vmem>> -> memref<64x80xi32, #tpu.memory_space<vmem>>
      %dma_wait3A_184 = arith.constant 0 : i32
      %dma_wait3A_185 = arith.constant 0 : i32
      %dma_wait3A_186 = tpu.memref_slice %arg4[%arg1, %dma_wait3A_184, %dma_wait3A_185] : memref<16x125x80xi32, #tpu.memory_space<hbm>> -> memref<1x125x80xi32, #tpu.memory_space<hbm>>
      %dma_wait3A_187 = tpu.memref_squeeze %dma_wait3A_186 : memref<1x125x80xi32, #tpu.memory_space<hbm>> -> memref<125x80xi32, #tpu.memory_space<hbm>>
      %dma_wait3A_188 = arith.constant 0 : i32
      %dma_wait3A_189 = arith.constant 0 : i32
      %dma_wait3A_190 = tpu.memref_slice %dma_wait3A_187[%dma_wait3A_188, %dma_wait3A_189] : memref<125x80xi32, #tpu.memory_space<hbm>> -> memref<64x80xi32, #tpu.memory_space<hbm>>
      %dma_wait3A_191 = arith.constant 0 : i32
      %dma_wait3A_192 = arith.constant 0 : i32
      %dma_wait3A_193 = tpu.memref_slice %arg9[%dma_wait3A_191, %dma_wait3A_192] : memref<64x80xi32, #tpu.memory_space<vmem>> -> memref<64x80xi32, #tpu.memory_space<vmem>>
      %dma_wait3A_194 = arith.constant 0 : i32
      %dma_wait3A_195 = arith.constant 0 : i32
      %dma_wait3A_196 = tpu.memref_slice %arg4[%arg1, %dma_wait3A_194, %dma_wait3A_195] : memref<16x125x80xi32, #tpu.memory_space<hbm>> -> memref<1x125x80xi32, #tpu.memory_space<hbm>>
      %dma_wait3A_197 = tpu.memref_squeeze %dma_wait3A_196 : memref<1x125x80xi32, #tpu.memory_space<hbm>> -> memref<125x80xi32, #tpu.memory_space<hbm>>
      %dma_wait3A_198 = arith.constant 0 : i32
      %dma_wait3A_199 = arith.constant 0 : i32
      %dma_wait3A_200 = tpu.memref_slice %dma_wait3A_197[%dma_wait3A_198, %dma_wait3A_199] : memref<125x80xi32, #tpu.memory_space<hbm>> -> memref<64x80xi32, #tpu.memory_space<hbm>>
      tpu.wait_dma2 semaphore(%run_scoped3A : memref<!tpu.dma_semaphore, #tpu.memory_space<semaphore_mem>>) src(%dma_wait3A_200 : memref<64x80xi32, #tpu.memory_space<hbm>>) dst(%dma_wait3A_193 : memref<64x80xi32, #tpu.memory_space<vmem>>)
      tpu.yield
    }) : () -> ()
    %dma_start3A = arith.constant 0 : i32
    %dma_start3A_22 = arith.constant 0 : i32
    %dma_start3A_23 = tpu.memref_slice %arg8[%dma_start3A, %dma_start3A_22] : memref<64x80xi32, #tpu.memory_space<vmem>> -> memref<1x80xi32, #tpu.memory_space<vmem>>
    %dma_start3A_24 = tpu.memref_squeeze %dma_start3A_23 : memref<1x80xi32, #tpu.memory_space<vmem>> -> memref<80xi32, #tpu.memory_space<vmem>>
    %dma_start3A_25 = arith.constant 0 : i32
    %dma_start3A_26 = arith.constant 0 : i32
    %dma_start3A_27 = tpu.memref_slice %arg2[%arg0, %dma_start3A_25, %dma_start3A_26] : memref<2x10000x128xf32, #tpu.memory_space<hbm>> -> memref<1x10000x128xf32, #tpu.memory_space<hbm>>
    %dma_start3A_28 = tpu.memref_squeeze %dma_start3A_27 : memref<1x10000x128xf32, #tpu.memory_space<hbm>> -> memref<10000x128xf32, #tpu.memory_space<hbm>>
    %dma_start3A_29 = arith.constant 0 : i32
    %dma_start3A_30 = arith.constant 0 : i32
    %dma_start3A_31 = tpu.memref_slice %dma_start3A_28[%dma_start3A_29, %dma_start3A_30] : memref<10000x128xf32, #tpu.memory_space<hbm>> -> memref<10000x128xf32, #tpu.memory_space<hbm>>
    tpu.enqueue_indirect_dma source(%dma_start3A_31 : memref<10000x128xf32, #tpu.memory_space<hbm>>) target(%arg10 : memref<80x128xf32, #tpu.memory_space<vmem>>) offsets(%dma_start3A_24 : memref<80xi32, #tpu.memory_space<vmem>>) semaphore(%arg12 : memref<!tpu.dma_semaphore, #tpu.memory_space<semaphore_mem>>)
    %scan3A_32 = arith.constant 0 : i32
    %scan3A_33 = arith.constant 31 : i32
    %scan3A_34 = arith.addi %scan3A_32, %scan3A_33 : i32
    %scan3A_35 = arith.constant 1 : i32
    scf.for %scan3A_161 = %scan3A_32 to %scan3A_34 step %scan3A_35  : i32 {
      %mul3A_162 = arith.constant 1 : i32
      %mul3A_163 = arith.muli %scan3A_161, %mul3A_162 : i32
      %add3A = arith.constant 0 : i32
      %add3A_164 = arith.addi %add3A, %mul3A_163 : i32
      %mul3A_165 = arith.constant 2 : i32
      %mul3A_166 = arith.muli %mul3A_165, %add3A_164 : i32
      %gt3A = arith.constant 0 : i32
      %gt3A_167 = arith.cmpi sgt, %add3A_164, %gt3A : i32
      %convert_element_type3A_168 = arith.extui %gt3A_167 : i1 to i32
      %cond3A_169 = arith.constant 0 : i32
      %cond3A_170 = arith.cmpi ne, %convert_element_type3A_168, %cond3A_169 : i32
      scf.if %cond3A_170 {
        %sub3A = arith.constant 1 : i32
        %sub3A_237 = arith.subi %mul3A_166, %sub3A : i32
        %dma_wait3A_238 = arith.constant 0 : i32
        %dma_wait3A_239 = tpu.memref_slice %arg9[%sub3A_237, %dma_wait3A_238] : memref<64x80xi32, #tpu.memory_space<vmem>> -> memref<1x80xi32, #tpu.memory_space<vmem>>
        %dma_wait3A_240 = tpu.memref_squeeze %dma_wait3A_239 : memref<1x80xi32, #tpu.memory_space<vmem>> -> memref<80xi32, #tpu.memory_space<vmem>>
        %dma_wait3A_241 = arith.constant 0 : i32
        %dma_wait3A_242 = arith.constant 0 : i32
        %dma_wait3A_243 = tpu.memref_slice %arg6[%dma_wait3A_241, %dma_wait3A_242] : memref<10000x128xf32, #tpu.memory_space<vmem_shared>> -> memref<10000x128xf32, #tpu.memory_space<vmem_shared>>
        tpu.wait_indirect_dma semaphore(%arg15 : memref<!tpu.dma_semaphore, #tpu.memory_space<semaphore_mem>>) src(%arg11 : memref<80x128xf32, #tpu.memory_space<vmem>>) dst(%dma_wait3A_243 : memref<10000x128xf32, #tpu.memory_space<vmem_shared>>)
      } else {
      }
      %add3A_171 = arith.constant 1 : i32
      %add3A_172 = arith.addi %mul3A_166, %add3A_171 : i32
      %dma_start3A_173 = arith.constant 0 : i32
      %dma_start3A_174 = tpu.memref_slice %arg8[%add3A_172, %dma_start3A_173] : memref<64x80xi32, #tpu.memory_space<vmem>> -> memref<1x80xi32, #tpu.memory_space<vmem>>
      %dma_start3A_175 = tpu.memref_squeeze %dma_start3A_174 : memref<1x80xi32, #tpu.memory_space<vmem>> -> memref<80xi32, #tpu.memory_space<vmem>>
      %dma_start3A_176 = arith.constant 0 : i32
      %dma_start3A_177 = arith.constant 0 : i32
      %dma_start3A_178 = tpu.memref_slice %arg2[%arg0, %dma_start3A_176, %dma_start3A_177] : memref<2x10000x128xf32, #tpu.memory_space<hbm>> -> memref<1x10000x128xf32, #tpu.memory_space<hbm>>
      %dma_start3A_179 = tpu.memref_squeeze %dma_start3A_178 : memref<1x10000x128xf32, #tpu.memory_space<hbm>> -> memref<10000x128xf32, #tpu.memory_space<hbm>>
      %dma_start3A_180 = arith.constant 0 : i32
      %dma_start3A_181 = arith.constant 0 : i32
      %dma_start3A_182 = tpu.memref_slice %dma_start3A_179[%dma_start3A_180, %dma_start3A_181] : memref<10000x128xf32, #tpu.memory_space<hbm>> -> memref<10000x128xf32, #tpu.memory_space<hbm>>
      tpu.enqueue_indirect_dma source(%dma_start3A_182 : memref<10000x128xf32, #tpu.memory_space<hbm>>) target(%arg11 : memref<80x128xf32, #tpu.memory_space<vmem>>) offsets(%dma_start3A_175 : memref<80xi32, #tpu.memory_space<vmem>>) semaphore(%arg13 : memref<!tpu.dma_semaphore, #tpu.memory_space<semaphore_mem>>)
      %dma_wait3A_183 = arith.constant 0 : i32
      %dma_wait3A_184 = tpu.memref_slice %arg8[%mul3A_166, %dma_wait3A_183] : memref<64x80xi32, #tpu.memory_space<vmem>> -> memref<1x80xi32, #tpu.memory_space<vmem>>
      %dma_wait3A_185 = tpu.memref_squeeze %dma_wait3A_184 : memref<1x80xi32, #tpu.memory_space<vmem>> -> memref<80xi32, #tpu.memory_space<vmem>>
      %dma_wait3A_186 = arith.constant 0 : i32
      %dma_wait3A_187 = arith.constant 0 : i32
      %dma_wait3A_188 = tpu.memref_slice %arg2[%arg0, %dma_wait3A_186, %dma_wait3A_187] : memref<2x10000x128xf32, #tpu.memory_space<hbm>> -> memref<1x10000x128xf32, #tpu.memory_space<hbm>>
      %dma_wait3A_189 = tpu.memref_squeeze %dma_wait3A_188 : memref<1x10000x128xf32, #tpu.memory_space<hbm>> -> memref<10000x128xf32, #tpu.memory_space<hbm>>
      %dma_wait3A_190 = arith.constant 0 : i32
      %dma_wait3A_191 = arith.constant 0 : i32
      %dma_wait3A_192 = tpu.memref_slice %dma_wait3A_189[%dma_wait3A_190, %dma_wait3A_191] : memref<10000x128xf32, #tpu.memory_space<hbm>> -> memref<10000x128xf32, #tpu.memory_space<hbm>>
      tpu.wait_indirect_dma semaphore(%arg12 : memref<!tpu.dma_semaphore, #tpu.memory_space<semaphore_mem>>) src(%dma_wait3A_192 : memref<10000x128xf32, #tpu.memory_space<hbm>>) dst(%arg10 : memref<80x128xf32, #tpu.memory_space<vmem>>)
      %dma_start3A_193 = arith.constant 0 : i32
      %dma_start3A_194 = tpu.memref_slice %arg9[%mul3A_166, %dma_start3A_193] : memref<64x80xi32, #tpu.memory_space<vmem>> -> memref<1x80xi32, #tpu.memory_space<vmem>>
      %dma_start3A_195 = tpu.memref_squeeze %dma_start3A_194 : memref<1x80xi32, #tpu.memory_space<vmem>> -> memref<80xi32, #tpu.memory_space<vmem>>
      %dma_start3A_196 = arith.constant 0 : i32
      %dma_start3A_197 = arith.constant 0 : i32
      %dma_start3A_198 = tpu.memref_slice %arg6[%dma_start3A_196, %dma_start3A_197] : memref<10000x128xf32, #tpu.memory_space<vmem_shared>> -> memref<10000x128xf32, #tpu.memory_space<vmem_shared>>
      tpu.enqueue_indirect_dma source(%arg10 : memref<80x128xf32, #tpu.memory_space<vmem>>) target(%dma_start3A_198 : memref<10000x128xf32, #tpu.memory_space<vmem_shared>>) offsets(%dma_start3A_195 : memref<80xi32, #tpu.memory_space<vmem>>) semaphore(%arg14 : memref<!tpu.dma_semaphore, #tpu.memory_space<semaphore_mem>>) {add = true}
      %dma_wait3A_199 = arith.constant 0 : i32
      %dma_wait3A_200 = tpu.memref_slice %arg9[%mul3A_166, %dma_wait3A_199] : memref<64x80xi32, #tpu.memory_space<vmem>> -> memref<1x80xi32, #tpu.memory_space<vmem>>
      %dma_wait3A_201 = tpu.memref_squeeze %dma_wait3A_200 : memref<1x80xi32, #tpu.memory_space<vmem>> -> memref<80xi32, #tpu.memory_space<vmem>>
      %dma_wait3A_202 = arith.constant 0 : i32
      %dma_wait3A_203 = arith.constant 0 : i32
      %dma_wait3A_204 = tpu.memref_slice %arg6[%dma_wait3A_202, %dma_wait3A_203] : memref<10000x128xf32, #tpu.memory_space<vmem_shared>> -> memref<10000x128xf32, #tpu.memory_space<vmem_shared>>
      tpu.wait_indirect_dma semaphore(%arg14 : memref<!tpu.dma_semaphore, #tpu.memory_space<semaphore_mem>>) src(%arg10 : memref<80x128xf32, #tpu.memory_space<vmem>>) dst(%dma_wait3A_204 : memref<10000x128xf32, #tpu.memory_space<vmem_shared>>)
      %add3A_205 = arith.constant 2 : i32
      %add3A_206 = arith.addi %mul3A_166, %add3A_205 : i32
      %dma_start3A_207 = arith.constant 0 : i32
      %dma_start3A_208 = tpu.memref_slice %arg8[%add3A_206, %dma_start3A_207] : memref<64x80xi32, #tpu.memory_space<vmem>> -> memref<1x80xi32, #tpu.memory_space<vmem>>
      %dma_start3A_209 = tpu.memref_squeeze %dma_start3A_208 : memref<1x80xi32, #tpu.memory_space<vmem>> -> memref<80xi32, #tpu.memory_space<vmem>>
      %dma_start3A_210 = arith.constant 0 : i32
      %dma_start3A_211 = arith.constant 0 : i32
      %dma_start3A_212 = tpu.memref_slice %arg2[%arg0, %dma_start3A_210, %dma_start3A_211] : memref<2x10000x128xf32, #tpu.memory_space<hbm>> -> memref<1x10000x128xf32, #tpu.memory_space<hbm>>
      %dma_start3A_213 = tpu.memref_squeeze %dma_start3A_212 : memref<1x10000x128xf32, #tpu.memory_space<hbm>> -> memref<10000x128xf32, #tpu.memory_space<hbm>>
      %dma_start3A_214 = arith.constant 0 : i32
      %dma_start3A_215 = arith.constant 0 : i32
      %dma_start3A_216 = tpu.memref_slice %dma_start3A_213[%dma_start3A_214, %dma_start3A_215] : memref<10000x128xf32, #tpu.memory_space<hbm>> -> memref<10000x128xf32, #tpu.memory_space<hbm>>
      tpu.enqueue_indirect_dma source(%dma_start3A_216 : memref<10000x128xf32, #tpu.memory_space<hbm>>) target(%arg10 : memref<80x128xf32, #tpu.memory_space<vmem>>) offsets(%dma_start3A_209 : memref<80xi32, #tpu.memory_space<vmem>>) semaphore(%arg12 : memref<!tpu.dma_semaphore, #tpu.memory_space<semaphore_mem>>)
      %add3A_217 = arith.constant 1 : i32
      %add3A_218 = arith.addi %mul3A_166, %add3A_217 : i32
      %dma_wait3A_219 = arith.constant 0 : i32
      %dma_wait3A_220 = tpu.memref_slice %arg8[%add3A_218, %dma_wait3A_219] : memref<64x80xi32, #tpu.memory_space<vmem>> -> memref<1x80xi32, #tpu.memory_space<vmem>>
      %dma_wait3A_221 = tpu.memref_squeeze %dma_wait3A_220 : memref<1x80xi32, #tpu.memory_space<vmem>> -> memref<80xi32, #tpu.memory_space<vmem>>
      %dma_wait3A_222 = arith.constant 0 : i32
      %dma_wait3A_223 = arith.constant 0 : i32
      %dma_wait3A_224 = tpu.memref_slice %arg2[%arg0, %dma_wait3A_222, %dma_wait3A_223] : memref<2x10000x128xf32, #tpu.memory_space<hbm>> -> memref<1x10000x128xf32, #tpu.memory_space<hbm>>
      %dma_wait3A_225 = tpu.memref_squeeze %dma_wait3A_224 : memref<1x10000x128xf32, #tpu.memory_space<hbm>> -> memref<10000x128xf32, #tpu.memory_space<hbm>>
      %dma_wait3A_226 = arith.constant 0 : i32
      %dma_wait3A_227 = arith.constant 0 : i32
      %dma_wait3A_228 = tpu.memref_slice %dma_wait3A_225[%dma_wait3A_226, %dma_wait3A_227] : memref<10000x128xf32, #tpu.memory_space<hbm>> -> memref<10000x128xf32, #tpu.memory_space<hbm>>
      tpu.wait_indirect_dma semaphore(%arg13 : memref<!tpu.dma_semaphore, #tpu.memory_space<semaphore_mem>>) src(%dma_wait3A_228 : memref<10000x128xf32, #tpu.memory_space<hbm>>) dst(%arg11 : memref<80x128xf32, #tpu.memory_space<vmem>>)
      %add3A_229 = arith.constant 1 : i32
      %add3A_230 = arith.addi %mul3A_166, %add3A_229 : i32
      %dma_start3A_231 = arith.constant 0 : i32
      %dma_start3A_232 = tpu.memref_slice %arg9[%add3A_230, %dma_start3A_231] : memref<64x80xi32, #tpu.memory_space<vmem>> -> memref<1x80xi32, #tpu.memory_space<vmem>>
      %dma_start3A_233 = tpu.memref_squeeze %dma_start3A_232 : memref<1x80xi32, #tpu.memory_space<vmem>> -> memref<80xi32, #tpu.memory_space<vmem>>
      %dma_start3A_234 = arith.constant 0 : i32
      %dma_start3A_235 = arith.constant 0 : i32
      %dma_start3A_236 = tpu.memref_slice %arg6[%dma_start3A_234, %dma_start3A_235] : memref<10000x128xf32, #tpu.memory_space<vmem_shared>> -> memref<10000x128xf32, #tpu.memory_space<vmem_shared>>
      tpu.enqueue_indirect_dma source(%arg11 : memref<80x128xf32, #tpu.memory_space<vmem>>) target(%dma_start3A_236 : memref<10000x128xf32, #tpu.memory_space<vmem_shared>>) offsets(%dma_start3A_233 : memref<80xi32, #tpu.memory_space<vmem>>) semaphore(%arg15 : memref<!tpu.dma_semaphore, #tpu.memory_space<semaphore_mem>>) {add = true}
    }
    %scan3A_36 = arith.constant 31 : i32
    %dma_wait3A = arith.constant 61 : i32
    %dma_wait3A_37 = arith.constant 0 : i32
    %dma_wait3A_38 = tpu.memref_slice %arg9[%dma_wait3A, %dma_wait3A_37] : memref<64x80xi32, #tpu.memory_space<vmem>> -> memref<1x80xi32, #tpu.memory_space<vmem>>
    %dma_wait3A_39 = tpu.memref_squeeze %dma_wait3A_38 : memref<1x80xi32, #tpu.memory_space<vmem>> -> memref<80xi32, #tpu.memory_space<vmem>>
    %dma_wait3A_40 = arith.constant 0 : i32
    %dma_wait3A_41 = arith.constant 0 : i32
    %dma_wait3A_42 = tpu.memref_slice %arg6[%dma_wait3A_40, %dma_wait3A_41] : memref<10000x128xf32, #tpu.memory_space<vmem_shared>> -> memref<10000x128xf32, #tpu.memory_space<vmem_shared>>
    tpu.wait_indirect_dma semaphore(%arg15 : memref<!tpu.dma_semaphore, #tpu.memory_space<semaphore_mem>>) src(%arg11 : memref<80x128xf32, #tpu.memory_space<vmem>>) dst(%dma_wait3A_42 : memref<10000x128xf32, #tpu.memory_space<vmem_shared>>)
    %dma_wait3A_43 = arith.constant 62 : i32
    %dma_wait3A_44 = arith.constant 0 : i32
    %dma_wait3A_45 = tpu.memref_slice %arg8[%dma_wait3A_43, %dma_wait3A_44] : memref<64x80xi32, #tpu.memory_space<vmem>> -> memref<1x80xi32, #tpu.memory_space<vmem>>
    %dma_wait3A_46 = tpu.memref_squeeze %dma_wait3A_45 : memref<1x80xi32, #tpu.memory_space<vmem>> -> memref<80xi32, #tpu.memory_space<vmem>>
    %dma_wait3A_47 = arith.constant 0 : i32
    %dma_wait3A_48 = arith.constant 0 : i32
    %dma_wait3A_49 = tpu.memref_slice %arg2[%arg0, %dma_wait3A_47, %dma_wait3A_48] : memref<2x10000x128xf32, #tpu.memory_space<hbm>> -> memref<1x10000x128xf32, #tpu.memory_space<hbm>>
    %dma_wait3A_50 = tpu.memref_squeeze %dma_wait3A_49 : memref<1x10000x128xf32, #tpu.memory_space<hbm>> -> memref<10000x128xf32, #tpu.memory_space<hbm>>
    %dma_wait3A_51 = arith.constant 0 : i32
    %dma_wait3A_52 = arith.constant 0 : i32
    %dma_wait3A_53 = tpu.memref_slice %dma_wait3A_50[%dma_wait3A_51, %dma_wait3A_52] : memref<10000x128xf32, #tpu.memory_space<hbm>> -> memref<10000x128xf32, #tpu.memory_space<hbm>>
    tpu.wait_indirect_dma semaphore(%arg12 : memref<!tpu.dma_semaphore, #tpu.memory_space<semaphore_mem>>) src(%dma_wait3A_53 : memref<10000x128xf32, #tpu.memory_space<hbm>>) dst(%arg10 : memref<80x128xf32, #tpu.memory_space<vmem>>)
    %dma_start3A_54 = arith.constant 63 : i32
    %dma_start3A_55 = arith.constant 0 : i32
    %dma_start3A_56 = tpu.memref_slice %arg8[%dma_start3A_54, %dma_start3A_55] : memref<64x80xi32, #tpu.memory_space<vmem>> -> memref<1x80xi32, #tpu.memory_space<vmem>>
    %dma_start3A_57 = tpu.memref_squeeze %dma_start3A_56 : memref<1x80xi32, #tpu.memory_space<vmem>> -> memref<80xi32, #tpu.memory_space<vmem>>
    %dma_start3A_58 = arith.constant 0 : i32
    %dma_start3A_59 = arith.constant 0 : i32
    %dma_start3A_60 = tpu.memref_slice %arg2[%arg0, %dma_start3A_58, %dma_start3A_59] : memref<2x10000x128xf32, #tpu.memory_space<hbm>> -> memref<1x10000x128xf32, #tpu.memory_space<hbm>>
    %dma_start3A_61 = tpu.memref_squeeze %dma_start3A_60 : memref<1x10000x128xf32, #tpu.memory_space<hbm>> -> memref<10000x128xf32, #tpu.memory_space<hbm>>
    %dma_start3A_62 = arith.constant 0 : i32
    %dma_start3A_63 = arith.constant 0 : i32
    %dma_start3A_64 = tpu.memref_slice %dma_start3A_61[%dma_start3A_62, %dma_start3A_63] : memref<10000x128xf32, #tpu.memory_space<hbm>> -> memref<10000x128xf32, #tpu.memory_space<hbm>>
    tpu.enqueue_indirect_dma source(%dma_start3A_64 : memref<10000x128xf32, #tpu.memory_space<hbm>>) target(%arg11 : memref<80x128xf32, #tpu.memory_space<vmem>>) offsets(%dma_start3A_57 : memref<80xi32, #tpu.memory_space<vmem>>) semaphore(%arg13 : memref<!tpu.dma_semaphore, #tpu.memory_space<semaphore_mem>>)
    %dma_start3A_65 = arith.constant 62 : i32
    %dma_start3A_66 = arith.constant 0 : i32
    %dma_start3A_67 = tpu.memref_slice %arg9[%dma_start3A_65, %dma_start3A_66] : memref<64x80xi32, #tpu.memory_space<vmem>> -> memref<1x80xi32, #tpu.memory_space<vmem>>
    %dma_start3A_68 = tpu.memref_squeeze %dma_start3A_67 : memref<1x80xi32, #tpu.memory_space<vmem>> -> memref<80xi32, #tpu.memory_space<vmem>>
    %dma_start3A_69 = arith.constant 0 : i32
    %dma_start3A_70 = arith.constant 0 : i32
    %dma_start3A_71 = tpu.memref_slice %arg6[%dma_start3A_69, %dma_start3A_70] : memref<10000x128xf32, #tpu.memory_space<vmem_shared>> -> memref<10000x128xf32, #tpu.memory_space<vmem_shared>>
    tpu.enqueue_indirect_dma source(%arg10 : memref<80x128xf32, #tpu.memory_space<vmem>>) target(%dma_start3A_71 : memref<10000x128xf32, #tpu.memory_space<vmem_shared>>) offsets(%dma_start3A_68 : memref<80xi32, #tpu.memory_space<vmem>>) semaphore(%arg14 : memref<!tpu.dma_semaphore, #tpu.memory_space<semaphore_mem>>) {add = true}
    %dma_wait3A_72 = arith.constant 62 : i32
    %dma_wait3A_73 = arith.constant 0 : i32
    %dma_wait3A_74 = tpu.memref_slice %arg9[%dma_wait3A_72, %dma_wait3A_73] : memref<64x80xi32, #tpu.memory_space<vmem>> -> memref<1x80xi32, #tpu.memory_space<vmem>>
    %dma_wait3A_75 = tpu.memref_squeeze %dma_wait3A_74 : memref<1x80xi32, #tpu.memory_space<vmem>> -> memref<80xi32, #tpu.memory_space<vmem>>
    %dma_wait3A_76 = arith.constant 0 : i32
    %dma_wait3A_77 = arith.constant 0 : i32
    %dma_wait3A_78 = tpu.memref_slice %arg6[%dma_wait3A_76, %dma_wait3A_77] : memref<10000x128xf32, #tpu.memory_space<vmem_shared>> -> memref<10000x128xf32, #tpu.memory_space<vmem_shared>>
    tpu.wait_indirect_dma semaphore(%arg14 : memref<!tpu.dma_semaphore, #tpu.memory_space<semaphore_mem>>) src(%arg10 : memref<80x128xf32, #tpu.memory_space<vmem>>) dst(%dma_wait3A_78 : memref<10000x128xf32, #tpu.memory_space<vmem_shared>>)
    %dma_wait3A_79 = arith.constant 63 : i32
    %dma_wait3A_80 = arith.constant 0 : i32
    %dma_wait3A_81 = tpu.memref_slice %arg8[%dma_wait3A_79, %dma_wait3A_80] : memref<64x80xi32, #tpu.memory_space<vmem>> -> memref<1x80xi32, #tpu.memory_space<vmem>>
    %dma_wait3A_82 = tpu.memref_squeeze %dma_wait3A_81 : memref<1x80xi32, #tpu.memory_space<vmem>> -> memref<80xi32, #tpu.memory_space<vmem>>
    %dma_wait3A_83 = arith.constant 0 : i32
    %dma_wait3A_84 = arith.constant 0 : i32
    %dma_wait3A_85 = tpu.memref_slice %arg2[%arg0, %dma_wait3A_83, %dma_wait3A_84] : memref<2x10000x128xf32, #tpu.memory_space<hbm>> -> memref<1x10000x128xf32, #tpu.memory_space<hbm>>
    %dma_wait3A_86 = tpu.memref_squeeze %dma_wait3A_85 : memref<1x10000x128xf32, #tpu.memory_space<hbm>> -> memref<10000x128xf32, #tpu.memory_space<hbm>>
    %dma_wait3A_87 = arith.constant 0 : i32
    %dma_wait3A_88 = arith.constant 0 : i32
    %dma_wait3A_89 = tpu.memref_slice %dma_wait3A_86[%dma_wait3A_87, %dma_wait3A_88] : memref<10000x128xf32, #tpu.memory_space<hbm>> -> memref<10000x128xf32, #tpu.memory_space<hbm>>
    tpu.wait_indirect_dma semaphore(%arg13 : memref<!tpu.dma_semaphore, #tpu.memory_space<semaphore_mem>>) src(%dma_wait3A_89 : memref<10000x128xf32, #tpu.memory_space<hbm>>) dst(%arg11 : memref<80x128xf32, #tpu.memory_space<vmem>>)
    %dma_start3A_90 = arith.constant 63 : i32
    %dma_start3A_91 = arith.constant 0 : i32
    %dma_start3A_92 = tpu.memref_slice %arg9[%dma_start3A_90, %dma_start3A_91] : memref<64x80xi32, #tpu.memory_space<vmem>> -> memref<1x80xi32, #tpu.memory_space<vmem>>
    %dma_start3A_93 = tpu.memref_squeeze %dma_start3A_92 : memref<1x80xi32, #tpu.memory_space<vmem>> -> memref<80xi32, #tpu.memory_space<vmem>>
    %dma_start3A_94 = arith.constant 0 : i32
    %dma_start3A_95 = arith.constant 0 : i32
    %dma_start3A_96 = tpu.memref_slice %arg6[%dma_start3A_94, %dma_start3A_95] : memref<10000x128xf32, #tpu.memory_space<vmem_shared>> -> memref<10000x128xf32, #tpu.memory_space<vmem_shared>>
    tpu.enqueue_indirect_dma source(%arg11 : memref<80x128xf32, #tpu.memory_space<vmem>>) target(%dma_start3A_96 : memref<10000x128xf32, #tpu.memory_space<vmem_shared>>) offsets(%dma_start3A_93 : memref<80xi32, #tpu.memory_space<vmem>>) semaphore(%arg15 : memref<!tpu.dma_semaphore, #tpu.memory_space<semaphore_mem>>) {add = true}
    %dma_wait3A_97 = arith.constant 63 : i32
    %dma_wait3A_98 = arith.constant 0 : i32
    %dma_wait3A_99 = tpu.memref_slice %arg9[%dma_wait3A_97, %dma_wait3A_98] : memref<64x80xi32, #tpu.memory_space<vmem>> -> memref<1x80xi32, #tpu.memory_space<vmem>>
    %dma_wait3A_100 = tpu.memref_squeeze %dma_wait3A_99 : memref<1x80xi32, #tpu.memory_space<vmem>> -> memref<80xi32, #tpu.memory_space<vmem>>
    %dma_wait3A_101 = arith.constant 0 : i32
    %dma_wait3A_102 = arith.constant 0 : i32
    %dma_wait3A_103 = tpu.memref_slice %arg6[%dma_wait3A_101, %dma_wait3A_102] : memref<10000x128xf32, #tpu.memory_space<vmem_shared>> -> memref<10000x128xf32, #tpu.memory_space<vmem_shared>>
    tpu.wait_indirect_dma semaphore(%arg15 : memref<!tpu.dma_semaphore, #tpu.memory_space<semaphore_mem>>) src(%arg11 : memref<80x128xf32, #tpu.memory_space<vmem>>) dst(%dma_wait3A_103 : memref<10000x128xf32, #tpu.memory_space<vmem_shared>>)
    "tpu.region"() ({
      %run_scoped3A = tpu.sem_alloc : memref<!tpu.dma_semaphore, #tpu.memory_space<semaphore_mem>>
      %dma_start3A_161 = arith.constant 0 : i32
      %dma_start3A_162 = arith.constant 0 : i32
      %dma_start3A_163 = tpu.memref_slice %arg8[%dma_start3A_161, %dma_start3A_162] : memref<64x80xi32, #tpu.memory_space<vmem>> -> memref<61x80xi32, #tpu.memory_space<vmem>>
      %dma_start3A_164 = arith.constant 0 : i32
      %dma_start3A_165 = arith.constant 0 : i32
      %dma_start3A_166 = tpu.memref_slice %arg3[%arg1, %dma_start3A_164, %dma_start3A_165] : memref<16x125x80xi32, #tpu.memory_space<hbm>> -> memref<1x125x80xi32, #tpu.memory_space<hbm>>
      %dma_start3A_167 = tpu.memref_squeeze %dma_start3A_166 : memref<1x125x80xi32, #tpu.memory_space<hbm>> -> memref<125x80xi32, #tpu.memory_space<hbm>>
      %dma_start3A_168 = arith.constant 64 : i32
      %dma_start3A_169 = arith.constant 0 : i32
      %dma_start3A_170 = tpu.memref_slice %dma_start3A_167[%dma_start3A_168, %dma_start3A_169] : memref<125x80xi32, #tpu.memory_space<hbm>> -> memref<61x80xi32, #tpu.memory_space<hbm>>
      %dma_start3A_171 = arith.constant 0 : i32
      %dma_start3A_172 = arith.constant 0 : i32
      %dma_start3A_173 = tpu.memref_slice %arg8[%dma_start3A_171, %dma_start3A_172] : memref<64x80xi32, #tpu.memory_space<vmem>> -> memref<61x80xi32, #tpu.memory_space<vmem>>
      %dma_start3A_174 = arith.constant 0 : i32
      %dma_start3A_175 = arith.constant 0 : i32
      %dma_start3A_176 = tpu.memref_slice %arg3[%arg1, %dma_start3A_174, %dma_start3A_175] : memref<16x125x80xi32, #tpu.memory_space<hbm>> -> memref<1x125x80xi32, #tpu.memory_space<hbm>>
      %dma_start3A_177 = tpu.memref_squeeze %dma_start3A_176 : memref<1x125x80xi32, #tpu.memory_space<hbm>> -> memref<125x80xi32, #tpu.memory_space<hbm>>
      %dma_start3A_178 = arith.constant 64 : i32
      %dma_start3A_179 = arith.constant 0 : i32
      %dma_start3A_180 = tpu.memref_slice %dma_start3A_177[%dma_start3A_178, %dma_start3A_179] : memref<125x80xi32, #tpu.memory_space<hbm>> -> memref<61x80xi32, #tpu.memory_space<hbm>>
      tpu.enqueue_dma source(%dma_start3A_180 : memref<61x80xi32, #tpu.memory_space<hbm>>) target(%dma_start3A_173 : memref<61x80xi32, #tpu.memory_space<vmem>>) target_semaphore(%run_scoped3A : memref<!tpu.dma_semaphore, #tpu.memory_space<semaphore_mem>>)
      %dma_wait3A_181 = arith.constant 0 : i32
      %dma_wait3A_182 = arith.constant 0 : i32
      %dma_wait3A_183 = tpu.memref_slice %arg8[%dma_wait3A_181, %dma_wait3A_182] : memref<64x80xi32, #tpu.memory_space<vmem>> -> memref<61x80xi32, #tpu.memory_space<vmem>>
      %dma_wait3A_184 = arith.constant 0 : i32
      %dma_wait3A_185 = arith.constant 0 : i32
      %dma_wait3A_186 = tpu.memref_slice %arg3[%arg1, %dma_wait3A_184, %dma_wait3A_185] : memref<16x125x80xi32, #tpu.memory_space<hbm>> -> memref<1x125x80xi32, #tpu.memory_space<hbm>>
      %dma_wait3A_187 = tpu.memref_squeeze %dma_wait3A_186 : memref<1x125x80xi32, #tpu.memory_space<hbm>> -> memref<125x80xi32, #tpu.memory_space<hbm>>
      %dma_wait3A_188 = arith.constant 64 : i32
      %dma_wait3A_189 = arith.constant 0 : i32
      %dma_wait3A_190 = tpu.memref_slice %dma_wait3A_187[%dma_wait3A_188, %dma_wait3A_189] : memref<125x80xi32, #tpu.memory_space<hbm>> -> memref<61x80xi32, #tpu.memory_space<hbm>>
      %dma_wait3A_191 = arith.constant 0 : i32
      %dma_wait3A_192 = arith.constant 0 : i32
      %dma_wait3A_193 = tpu.memref_slice %arg8[%dma_wait3A_191, %dma_wait3A_192] : memref<64x80xi32, #tpu.memory_space<vmem>> -> memref<61x80xi32, #tpu.memory_space<vmem>>
      %dma_wait3A_194 = arith.constant 0 : i32
      %dma_wait3A_195 = arith.constant 0 : i32
      %dma_wait3A_196 = tpu.memref_slice %arg3[%arg1, %dma_wait3A_194, %dma_wait3A_195] : memref<16x125x80xi32, #tpu.memory_space<hbm>> -> memref<1x125x80xi32, #tpu.memory_space<hbm>>
      %dma_wait3A_197 = tpu.memref_squeeze %dma_wait3A_196 : memref<1x125x80xi32, #tpu.memory_space<hbm>> -> memref<125x80xi32, #tpu.memory_space<hbm>>
      %dma_wait3A_198 = arith.constant 64 : i32
      %dma_wait3A_199 = arith.constant 0 : i32
      %dma_wait3A_200 = tpu.memref_slice %dma_wait3A_197[%dma_wait3A_198, %dma_wait3A_199] : memref<125x80xi32, #tpu.memory_space<hbm>> -> memref<61x80xi32, #tpu.memory_space<hbm>>
      tpu.wait_dma2 semaphore(%run_scoped3A : memref<!tpu.dma_semaphore, #tpu.memory_space<semaphore_mem>>) src(%dma_wait3A_200 : memref<61x80xi32, #tpu.memory_space<hbm>>) dst(%dma_wait3A_193 : memref<61x80xi32, #tpu.memory_space<vmem>>)
      tpu.yield
    }) : () -> ()
    "tpu.region"() ({
      %run_scoped3A = tpu.sem_alloc : memref<!tpu.dma_semaphore, #tpu.memory_space<semaphore_mem>>
      %dma_start3A_161 = arith.constant 0 : i32
      %dma_start3A_162 = arith.constant 0 : i32
      %dma_start3A_163 = tpu.memref_slice %arg9[%dma_start3A_161, %dma_start3A_162] : memref<64x80xi32, #tpu.memory_space<vmem>> -> memref<61x80xi32, #tpu.memory_space<vmem>>
      %dma_start3A_164 = arith.constant 0 : i32
      %dma_start3A_165 = arith.constant 0 : i32
      %dma_start3A_166 = tpu.memref_slice %arg4[%arg1, %dma_start3A_164, %dma_start3A_165] : memref<16x125x80xi32, #tpu.memory_space<hbm>> -> memref<1x125x80xi32, #tpu.memory_space<hbm>>
      %dma_start3A_167 = tpu.memref_squeeze %dma_start3A_166 : memref<1x125x80xi32, #tpu.memory_space<hbm>> -> memref<125x80xi32, #tpu.memory_space<hbm>>
      %dma_start3A_168 = arith.constant 64 : i32
      %dma_start3A_169 = arith.constant 0 : i32
      %dma_start3A_170 = tpu.memref_slice %dma_start3A_167[%dma_start3A_168, %dma_start3A_169] : memref<125x80xi32, #tpu.memory_space<hbm>> -> memref<61x80xi32, #tpu.memory_space<hbm>>
      %dma_start3A_171 = arith.constant 0 : i32
      %dma_start3A_172 = arith.constant 0 : i32
      %dma_start3A_173 = tpu.memref_slice %arg9[%dma_start3A_171, %dma_start3A_172] : memref<64x80xi32, #tpu.memory_space<vmem>> -> memref<61x80xi32, #tpu.memory_space<vmem>>
      %dma_start3A_174 = arith.constant 0 : i32
      %dma_start3A_175 = arith.constant 0 : i32
      %dma_start3A_176 = tpu.memref_slice %arg4[%arg1, %dma_start3A_174, %dma_start3A_175] : memref<16x125x80xi32, #tpu.memory_space<hbm>> -> memref<1x125x80xi32, #tpu.memory_space<hbm>>
      %dma_start3A_177 = tpu.memref_squeeze %dma_start3A_176 : memref<1x125x80xi32, #tpu.memory_space<hbm>> -> memref<125x80xi32, #tpu.memory_space<hbm>>
      %dma_start3A_178 = arith.constant 64 : i32
      %dma_start3A_179 = arith.constant 0 : i32
      %dma_start3A_180 = tpu.memref_slice %dma_start3A_177[%dma_start3A_178, %dma_start3A_179] : memref<125x80xi32, #tpu.memory_space<hbm>> -> memref<61x80xi32, #tpu.memory_space<hbm>>
      tpu.enqueue_dma source(%dma_start3A_180 : memref<61x80xi32, #tpu.memory_space<hbm>>) target(%dma_start3A_173 : memref<61x80xi32, #tpu.memory_space<vmem>>) target_semaphore(%run_scoped3A : memref<!tpu.dma_semaphore, #tpu.memory_space<semaphore_mem>>)
      %dma_wait3A_181 = arith.constant 0 : i32
      %dma_wait3A_182 = arith.constant 0 : i32
      %dma_wait3A_183 = tpu.memref_slice %arg9[%dma_wait3A_181, %dma_wait3A_182] : memref<64x80xi32, #tpu.memory_space<vmem>> -> memref<61x80xi32, #tpu.memory_space<vmem>>
      %dma_wait3A_184 = arith.constant 0 : i32
      %dma_wait3A_185 = arith.constant 0 : i32
      %dma_wait3A_186 = tpu.memref_slice %arg4[%arg1, %dma_wait3A_184, %dma_wait3A_185] : memref<16x125x80xi32, #tpu.memory_space<hbm>> -> memref<1x125x80xi32, #tpu.memory_space<hbm>>
      %dma_wait3A_187 = tpu.memref_squeeze %dma_wait3A_186 : memref<1x125x80xi32, #tpu.memory_space<hbm>> -> memref<125x80xi32, #tpu.memory_space<hbm>>
      %dma_wait3A_188 = arith.constant 64 : i32
      %dma_wait3A_189 = arith.constant 0 : i32
      %dma_wait3A_190 = tpu.memref_slice %dma_wait3A_187[%dma_wait3A_188, %dma_wait3A_189] : memref<125x80xi32, #tpu.memory_space<hbm>> -> memref<61x80xi32, #tpu.memory_space<hbm>>
      %dma_wait3A_191 = arith.constant 0 : i32
      %dma_wait3A_192 = arith.constant 0 : i32
      %dma_wait3A_193 = tpu.memref_slice %arg9[%dma_wait3A_191, %dma_wait3A_192] : memref<64x80xi32, #tpu.memory_space<vmem>> -> memref<61x80xi32, #tpu.memory_space<vmem>>
      %dma_wait3A_194 = arith.constant 0 : i32
      %dma_wait3A_195 = arith.constant 0 : i32
      %dma_wait3A_196 = tpu.memref_slice %arg4[%arg1, %dma_wait3A_194, %dma_wait3A_195] : memref<16x125x80xi32, #tpu.memory_space<hbm>> -> memref<1x125x80xi32, #tpu.memory_space<hbm>>
      %dma_wait3A_197 = tpu.memref_squeeze %dma_wait3A_196 : memref<1x125x80xi32, #tpu.memory_space<hbm>> -> memref<125x80xi32, #tpu.memory_space<hbm>>
      %dma_wait3A_198 = arith.constant 64 : i32
      %dma_wait3A_199 = arith.constant 0 : i32
      %dma_wait3A_200 = tpu.memref_slice %dma_wait3A_197[%dma_wait3A_198, %dma_wait3A_199] : memref<125x80xi32, #tpu.memory_space<hbm>> -> memref<61x80xi32, #tpu.memory_space<hbm>>
      tpu.wait_dma2 semaphore(%run_scoped3A : memref<!tpu.dma_semaphore, #tpu.memory_space<semaphore_mem>>) src(%dma_wait3A_200 : memref<61x80xi32, #tpu.memory_space<hbm>>) dst(%dma_wait3A_193 : memref<61x80xi32, #tpu.memory_space<vmem>>)
      tpu.yield
    }) : () -> ()
    %dma_start3A_104 = arith.constant 0 : i32
    %dma_start3A_105 = arith.constant 0 : i32
    %dma_start3A_106 = tpu.memref_slice %arg8[%dma_start3A_104, %dma_start3A_105] : memref<64x80xi32, #tpu.memory_space<vmem>> -> memref<1x80xi32, #tpu.memory_space<vmem>>
    %dma_start3A_107 = tpu.memref_squeeze %dma_start3A_106 : memref<1x80xi32, #tpu.memory_space<vmem>> -> memref<80xi32, #tpu.memory_space<vmem>>
    %dma_start3A_108 = arith.constant 0 : i32
    %dma_start3A_109 = arith.constant 0 : i32
    %dma_start3A_110 = tpu.memref_slice %arg2[%arg0, %dma_start3A_108, %dma_start3A_109] : memref<2x10000x128xf32, #tpu.memory_space<hbm>> -> memref<1x10000x128xf32, #tpu.memory_space<hbm>>
    %dma_start3A_111 = tpu.memref_squeeze %dma_start3A_110 : memref<1x10000x128xf32, #tpu.memory_space<hbm>> -> memref<10000x128xf32, #tpu.memory_space<hbm>>
    %dma_start3A_112 = arith.constant 0 : i32
    %dma_start3A_113 = arith.constant 0 : i32
    %dma_start3A_114 = tpu.memref_slice %dma_start3A_111[%dma_start3A_112, %dma_start3A_113] : memref<10000x128xf32, #tpu.memory_space<hbm>> -> memref<10000x128xf32, #tpu.memory_space<hbm>>
    tpu.enqueue_indirect_dma source(%dma_start3A_114 : memref<10000x128xf32, #tpu.memory_space<hbm>>) target(%arg10 : memref<80x128xf32, #tpu.memory_space<vmem>>) offsets(%dma_start3A_107 : memref<80xi32, #tpu.memory_space<vmem>>) semaphore(%arg12 : memref<!tpu.dma_semaphore, #tpu.memory_space<semaphore_mem>>)
    %scan3A_115 = arith.constant 0 : i32
    %scan3A_116 = arith.constant 30 : i32
    %scan3A_117 = arith.addi %scan3A_115, %scan3A_116 : i32
    %scan3A_118 = arith.constant 1 : i32
    scf.for %scan3A_161 = %scan3A_115 to %scan3A_117 step %scan3A_118  : i32 {
      %mul3A_162 = arith.constant 1 : i32
      %mul3A_163 = arith.muli %scan3A_161, %mul3A_162 : i32
      %add3A = arith.constant 0 : i32
      %add3A_164 = arith.addi %add3A, %mul3A_163 : i32
      %mul3A_165 = arith.constant 2 : i32
      %mul3A_166 = arith.muli %mul3A_165, %add3A_164 : i32
      %gt3A = arith.constant 0 : i32
      %gt3A_167 = arith.cmpi sgt, %add3A_164, %gt3A : i32
      %convert_element_type3A_168 = arith.extui %gt3A_167 : i1 to i32
      %cond3A_169 = arith.constant 0 : i32
      %cond3A_170 = arith.cmpi ne, %convert_element_type3A_168, %cond3A_169 : i32
      scf.if %cond3A_170 {
        %sub3A = arith.constant 1 : i32
        %sub3A_237 = arith.subi %mul3A_166, %sub3A : i32
        %dma_wait3A_238 = arith.constant 0 : i32
        %dma_wait3A_239 = tpu.memref_slice %arg9[%sub3A_237, %dma_wait3A_238] : memref<64x80xi32, #tpu.memory_space<vmem>> -> memref<1x80xi32, #tpu.memory_space<vmem>>
        %dma_wait3A_240 = tpu.memref_squeeze %dma_wait3A_239 : memref<1x80xi32, #tpu.memory_space<vmem>> -> memref<80xi32, #tpu.memory_space<vmem>>
        %dma_wait3A_241 = arith.constant 0 : i32
        %dma_wait3A_242 = arith.constant 0 : i32
        %dma_wait3A_243 = tpu.memref_slice %arg6[%dma_wait3A_241, %dma_wait3A_242] : memref<10000x128xf32, #tpu.memory_space<vmem_shared>> -> memref<10000x128xf32, #tpu.memory_space<vmem_shared>>
        tpu.wait_indirect_dma semaphore(%arg15 : memref<!tpu.dma_semaphore, #tpu.memory_space<semaphore_mem>>) src(%arg11 : memref<80x128xf32, #tpu.memory_space<vmem>>) dst(%dma_wait3A_243 : memref<10000x128xf32, #tpu.memory_space<vmem_shared>>)
      } else {
      }
      %add3A_171 = arith.constant 1 : i32
      %add3A_172 = arith.addi %mul3A_166, %add3A_171 : i32
      %dma_start3A_173 = arith.constant 0 : i32
      %dma_start3A_174 = tpu.memref_slice %arg8[%add3A_172, %dma_start3A_173] : memref<64x80xi32, #tpu.memory_space<vmem>> -> memref<1x80xi32, #tpu.memory_space<vmem>>
      %dma_start3A_175 = tpu.memref_squeeze %dma_start3A_174 : memref<1x80xi32, #tpu.memory_space<vmem>> -> memref<80xi32, #tpu.memory_space<vmem>>
      %dma_start3A_176 = arith.constant 0 : i32
      %dma_start3A_177 = arith.constant 0 : i32
      %dma_start3A_178 = tpu.memref_slice %arg2[%arg0, %dma_start3A_176, %dma_start3A_177] : memref<2x10000x128xf32, #tpu.memory_space<hbm>> -> memref<1x10000x128xf32, #tpu.memory_space<hbm>>
      %dma_start3A_179 = tpu.memref_squeeze %dma_start3A_178 : memref<1x10000x128xf32, #tpu.memory_space<hbm>> -> memref<10000x128xf32, #tpu.memory_space<hbm>>
      %dma_start3A_180 = arith.constant 0 : i32
      %dma_start3A_181 = arith.constant 0 : i32
      %dma_start3A_182 = tpu.memref_slice %dma_start3A_179[%dma_start3A_180, %dma_start3A_181] : memref<10000x128xf32, #tpu.memory_space<hbm>> -> memref<10000x128xf32, #tpu.memory_space<hbm>>
      tpu.enqueue_indirect_dma source(%dma_start3A_182 : memref<10000x128xf32, #tpu.memory_space<hbm>>) target(%arg11 : memref<80x128xf32, #tpu.memory_space<vmem>>) offsets(%dma_start3A_175 : memref<80xi32, #tpu.memory_space<vmem>>) semaphore(%arg13 : memref<!tpu.dma_semaphore, #tpu.memory_space<semaphore_mem>>)
      %dma_wait3A_183 = arith.constant 0 : i32
      %dma_wait3A_184 = tpu.memref_slice %arg8[%mul3A_166, %dma_wait3A_183] : memref<64x80xi32, #tpu.memory_space<vmem>> -> memref<1x80xi32, #tpu.memory_space<vmem>>
      %dma_wait3A_185 = tpu.memref_squeeze %dma_wait3A_184 : memref<1x80xi32, #tpu.memory_space<vmem>> -> memref<80xi32, #tpu.memory_space<vmem>>
      %dma_wait3A_186 = arith.constant 0 : i32
      %dma_wait3A_187 = arith.constant 0 : i32
      %dma_wait3A_188 = tpu.memref_slice %arg2[%arg0, %dma_wait3A_186, %dma_wait3A_187] : memref<2x10000x128xf32, #tpu.memory_space<hbm>> -> memref<1x10000x128xf32, #tpu.memory_space<hbm>>
      %dma_wait3A_189 = tpu.memref_squeeze %dma_wait3A_188 : memref<1x10000x128xf32, #tpu.memory_space<hbm>> -> memref<10000x128xf32, #tpu.memory_space<hbm>>
      %dma_wait3A_190 = arith.constant 0 : i32
      %dma_wait3A_191 = arith.constant 0 : i32
      %dma_wait3A_192 = tpu.memref_slice %dma_wait3A_189[%dma_wait3A_190, %dma_wait3A_191] : memref<10000x128xf32, #tpu.memory_space<hbm>> -> memref<10000x128xf32, #tpu.memory_space<hbm>>
      tpu.wait_indirect_dma semaphore(%arg12 : memref<!tpu.dma_semaphore, #tpu.memory_space<semaphore_mem>>) src(%dma_wait3A_192 : memref<10000x128xf32, #tpu.memory_space<hbm>>) dst(%arg10 : memref<80x128xf32, #tpu.memory_space<vmem>>)
      %dma_start3A_193 = arith.constant 0 : i32
      %dma_start3A_194 = tpu.memref_slice %arg9[%mul3A_166, %dma_start3A_193] : memref<64x80xi32, #tpu.memory_space<vmem>> -> memref<1x80xi32, #tpu.memory_space<vmem>>
      %dma_start3A_195 = tpu.memref_squeeze %dma_start3A_194 : memref<1x80xi32, #tpu.memory_space<vmem>> -> memref<80xi32, #tpu.memory_space<vmem>>
      %dma_start3A_196 = arith.constant 0 : i32
      %dma_start3A_197 = arith.constant 0 : i32
      %dma_start3A_198 = tpu.memref_slice %arg6[%dma_start3A_196, %dma_start3A_197] : memref<10000x128xf32, #tpu.memory_space<vmem_shared>> -> memref<10000x128xf32, #tpu.memory_space<vmem_shared>>
      tpu.enqueue_indirect_dma source(%arg10 : memref<80x128xf32, #tpu.memory_space<vmem>>) target(%dma_start3A_198 : memref<10000x128xf32, #tpu.memory_space<vmem_shared>>) offsets(%dma_start3A_195 : memref<80xi32, #tpu.memory_space<vmem>>) semaphore(%arg14 : memref<!tpu.dma_semaphore, #tpu.memory_space<semaphore_mem>>) {add = true}
      %dma_wait3A_199 = arith.constant 0 : i32
      %dma_wait3A_200 = tpu.memref_slice %arg9[%mul3A_166, %dma_wait3A_199] : memref<64x80xi32, #tpu.memory_space<vmem>> -> memref<1x80xi32, #tpu.memory_space<vmem>>
      %dma_wait3A_201 = tpu.memref_squeeze %dma_wait3A_200 : memref<1x80xi32, #tpu.memory_space<vmem>> -> memref<80xi32, #tpu.memory_space<vmem>>
      %dma_wait3A_202 = arith.constant 0 : i32
      %dma_wait3A_203 = arith.constant 0 : i32
      %dma_wait3A_204 = tpu.memref_slice %arg6[%dma_wait3A_202, %dma_wait3A_203] : memref<10000x128xf32, #tpu.memory_space<vmem_shared>> -> memref<10000x128xf32, #tpu.memory_space<vmem_shared>>
      tpu.wait_indirect_dma semaphore(%arg14 : memref<!tpu.dma_semaphore, #tpu.memory_space<semaphore_mem>>) src(%arg10 : memref<80x128xf32, #tpu.memory_space<vmem>>) dst(%dma_wait3A_204 : memref<10000x128xf32, #tpu.memory_space<vmem_shared>>)
      %add3A_205 = arith.constant 2 : i32
      %add3A_206 = arith.addi %mul3A_166, %add3A_205 : i32
      %dma_start3A_207 = arith.constant 0 : i32
      %dma_start3A_208 = tpu.memref_slice %arg8[%add3A_206, %dma_start3A_207] : memref<64x80xi32, #tpu.memory_space<vmem>> -> memref<1x80xi32, #tpu.memory_space<vmem>>
      %dma_start3A_209 = tpu.memref_squeeze %dma_start3A_208 : memref<1x80xi32, #tpu.memory_space<vmem>> -> memref<80xi32, #tpu.memory_space<vmem>>
      %dma_start3A_210 = arith.constant 0 : i32
      %dma_start3A_211 = arith.constant 0 : i32
      %dma_start3A_212 = tpu.memref_slice %arg2[%arg0, %dma_start3A_210, %dma_start3A_211] : memref<2x10000x128xf32, #tpu.memory_space<hbm>> -> memref<1x10000x128xf32, #tpu.memory_space<hbm>>
      %dma_start3A_213 = tpu.memref_squeeze %dma_start3A_212 : memref<1x10000x128xf32, #tpu.memory_space<hbm>> -> memref<10000x128xf32, #tpu.memory_space<hbm>>
      %dma_start3A_214 = arith.constant 0 : i32
      %dma_start3A_215 = arith.constant 0 : i32
      %dma_start3A_216 = tpu.memref_slice %dma_start3A_213[%dma_start3A_214, %dma_start3A_215] : memref<10000x128xf32, #tpu.memory_space<hbm>> -> memref<10000x128xf32, #tpu.memory_space<hbm>>
      tpu.enqueue_indirect_dma source(%dma_start3A_216 : memref<10000x128xf32, #tpu.memory_space<hbm>>) target(%arg10 : memref<80x128xf32, #tpu.memory_space<vmem>>) offsets(%dma_start3A_209 : memref<80xi32, #tpu.memory_space<vmem>>) semaphore(%arg12 : memref<!tpu.dma_semaphore, #tpu.memory_space<semaphore_mem>>)
      %add3A_217 = arith.constant 1 : i32
      %add3A_218 = arith.addi %mul3A_166, %add3A_217 : i32
      %dma_wait3A_219 = arith.constant 0 : i32
      %dma_wait3A_220 = tpu.memref_slice %arg8[%add3A_218, %dma_wait3A_219] : memref<64x80xi32, #tpu.memory_space<vmem>> -> memref<1x80xi32, #tpu.memory_space<vmem>>
      %dma_wait3A_221 = tpu.memref_squeeze %dma_wait3A_220 : memref<1x80xi32, #tpu.memory_space<vmem>> -> memref<80xi32, #tpu.memory_space<vmem>>
      %dma_wait3A_222 = arith.constant 0 : i32
      %dma_wait3A_223 = arith.constant 0 : i32
      %dma_wait3A_224 = tpu.memref_slice %arg2[%arg0, %dma_wait3A_222, %dma_wait3A_223] : memref<2x10000x128xf32, #tpu.memory_space<hbm>> -> memref<1x10000x128xf32, #tpu.memory_space<hbm>>
      %dma_wait3A_225 = tpu.memref_squeeze %dma_wait3A_224 : memref<1x10000x128xf32, #tpu.memory_space<hbm>> -> memref<10000x128xf32, #tpu.memory_space<hbm>>
      %dma_wait3A_226 = arith.constant 0 : i32
      %dma_wait3A_227 = arith.constant 0 : i32
      %dma_wait3A_228 = tpu.memref_slice %dma_wait3A_225[%dma_wait3A_226, %dma_wait3A_227] : memref<10000x128xf32, #tpu.memory_space<hbm>> -> memref<10000x128xf32, #tpu.memory_space<hbm>>
      tpu.wait_indirect_dma semaphore(%arg13 : memref<!tpu.dma_semaphore, #tpu.memory_space<semaphore_mem>>) src(%dma_wait3A_228 : memref<10000x128xf32, #tpu.memory_space<hbm>>) dst(%arg11 : memref<80x128xf32, #tpu.memory_space<vmem>>)
      %add3A_229 = arith.constant 1 : i32
      %add3A_230 = arith.addi %mul3A_166, %add3A_229 : i32
      %dma_start3A_231 = arith.constant 0 : i32
      %dma_start3A_232 = tpu.memref_slice %arg9[%add3A_230, %dma_start3A_231] : memref<64x80xi32, #tpu.memory_space<vmem>> -> memref<1x80xi32, #tpu.memory_space<vmem>>
      %dma_start3A_233 = tpu.memref_squeeze %dma_start3A_232 : memref<1x80xi32, #tpu.memory_space<vmem>> -> memref<80xi32, #tpu.memory_space<vmem>>
      %dma_start3A_234 = arith.constant 0 : i32
      %dma_start3A_235 = arith.constant 0 : i32
      %dma_start3A_236 = tpu.memref_slice %arg6[%dma_start3A_234, %dma_start3A_235] : memref<10000x128xf32, #tpu.memory_space<vmem_shared>> -> memref<10000x128xf32, #tpu.memory_space<vmem_shared>>
      tpu.enqueue_indirect_dma source(%arg11 : memref<80x128xf32, #tpu.memory_space<vmem>>) target(%dma_start3A_236 : memref<10000x128xf32, #tpu.memory_space<vmem_shared>>) offsets(%dma_start3A_233 : memref<80xi32, #tpu.memory_space<vmem>>) semaphore(%arg15 : memref<!tpu.dma_semaphore, #tpu.memory_space<semaphore_mem>>) {add = true}
    }
    %scan3A_119 = arith.constant 30 : i32
    %dma_wait3A_120 = arith.constant 59 : i32
    %dma_wait3A_121 = arith.constant 0 : i32
    %dma_wait3A_122 = tpu.memref_slice %arg9[%dma_wait3A_120, %dma_wait3A_121] : memref<64x80xi32, #tpu.memory_space<vmem>> -> memref<1x80xi32, #tpu.memory_space<vmem>>
    %dma_wait3A_123 = tpu.memref_squeeze %dma_wait3A_122 : memref<1x80xi32, #tpu.memory_space<vmem>> -> memref<80xi32, #tpu.memory_space<vmem>>
    %dma_wait3A_124 = arith.constant 0 : i32
    %dma_wait3A_125 = arith.constant 0 : i32
    %dma_wait3A_126 = tpu.memref_slice %arg6[%dma_wait3A_124, %dma_wait3A_125] : memref<10000x128xf32, #tpu.memory_space<vmem_shared>> -> memref<10000x128xf32, #tpu.memory_space<vmem_shared>>
    tpu.wait_indirect_dma semaphore(%arg15 : memref<!tpu.dma_semaphore, #tpu.memory_space<semaphore_mem>>) src(%arg11 : memref<80x128xf32, #tpu.memory_space<vmem>>) dst(%dma_wait3A_126 : memref<10000x128xf32, #tpu.memory_space<vmem_shared>>)
    %dma_wait3A_127 = arith.constant 60 : i32
    %dma_wait3A_128 = arith.constant 0 : i32
    %dma_wait3A_129 = tpu.memref_slice %arg8[%dma_wait3A_127, %dma_wait3A_128] : memref<64x80xi32, #tpu.memory_space<vmem>> -> memref<1x80xi32, #tpu.memory_space<vmem>>
    %dma_wait3A_130 = tpu.memref_squeeze %dma_wait3A_129 : memref<1x80xi32, #tpu.memory_space<vmem>> -> memref<80xi32, #tpu.memory_space<vmem>>
    %dma_wait3A_131 = arith.constant 0 : i32
    %dma_wait3A_132 = arith.constant 0 : i32
    %dma_wait3A_133 = tpu.memref_slice %arg2[%arg0, %dma_wait3A_131, %dma_wait3A_132] : memref<2x10000x128xf32, #tpu.memory_space<hbm>> -> memref<1x10000x128xf32, #tpu.memory_space<hbm>>
    %dma_wait3A_134 = tpu.memref_squeeze %dma_wait3A_133 : memref<1x10000x128xf32, #tpu.memory_space<hbm>> -> memref<10000x128xf32, #tpu.memory_space<hbm>>
    %dma_wait3A_135 = arith.constant 0 : i32
    %dma_wait3A_136 = arith.constant 0 : i32
    %dma_wait3A_137 = tpu.memref_slice %dma_wait3A_134[%dma_wait3A_135, %dma_wait3A_136] : memref<10000x128xf32, #tpu.memory_space<hbm>> -> memref<10000x128xf32, #tpu.memory_space<hbm>>
    tpu.wait_indirect_dma semaphore(%arg12 : memref<!tpu.dma_semaphore, #tpu.memory_space<semaphore_mem>>) src(%dma_wait3A_137 : memref<10000x128xf32, #tpu.memory_space<hbm>>) dst(%arg10 : memref<80x128xf32, #tpu.memory_space<vmem>>)
    %dma_start3A_138 = arith.constant 60 : i32
    %dma_start3A_139 = arith.constant 0 : i32
    %dma_start3A_140 = tpu.memref_slice %arg9[%dma_start3A_138, %dma_start3A_139] : memref<64x80xi32, #tpu.memory_space<vmem>> -> memref<1x80xi32, #tpu.memory_space<vmem>>
    %dma_start3A_141 = tpu.memref_squeeze %dma_start3A_140 : memref<1x80xi32, #tpu.memory_space<vmem>> -> memref<80xi32, #tpu.memory_space<vmem>>
    %dma_start3A_142 = arith.constant 0 : i32
    %dma_start3A_143 = arith.constant 0 : i32
    %dma_start3A_144 = tpu.memref_slice %arg6[%dma_start3A_142, %dma_start3A_143] : memref<10000x128xf32, #tpu.memory_space<vmem_shared>> -> memref<10000x128xf32, #tpu.memory_space<vmem_shared>>
    tpu.enqueue_indirect_dma source(%arg10 : memref<80x128xf32, #tpu.memory_space<vmem>>) target(%dma_start3A_144 : memref<10000x128xf32, #tpu.memory_space<vmem_shared>>) offsets(%dma_start3A_141 : memref<80xi32, #tpu.memory_space<vmem>>) semaphore(%arg14 : memref<!tpu.dma_semaphore, #tpu.memory_space<semaphore_mem>>) {add = true}
    %dma_wait3A_145 = arith.constant 60 : i32
    %dma_wait3A_146 = arith.constant 0 : i32
    %dma_wait3A_147 = tpu.memref_slice %arg9[%dma_wait3A_145, %dma_wait3A_146] : memref<64x80xi32, #tpu.memory_space<vmem>> -> memref<1x80xi32, #tpu.memory_space<vmem>>
    %dma_wait3A_148 = tpu.memref_squeeze %dma_wait3A_147 : memref<1x80xi32, #tpu.memory_space<vmem>> -> memref<80xi32, #tpu.memory_space<vmem>>
    %dma_wait3A_149 = arith.constant 0 : i32
    %dma_wait3A_150 = arith.constant 0 : i32
    %dma_wait3A_151 = tpu.memref_slice %arg6[%dma_wait3A_149, %dma_wait3A_150] : memref<10000x128xf32, #tpu.memory_space<vmem_shared>> -> memref<10000x128xf32, #tpu.memory_space<vmem_shared>>
    tpu.wait_indirect_dma semaphore(%arg14 : memref<!tpu.dma_semaphore, #tpu.memory_space<semaphore_mem>>) src(%arg10 : memref<80x128xf32, #tpu.memory_space<vmem>>) dst(%dma_wait3A_151 : memref<10000x128xf32, #tpu.memory_space<vmem_shared>>)
    %barrier3A_152 = arith.constant 0 : index
    tpu.barrier barrier_id(%barrier3A_152)
    %mul3A = arith.constant 624 : i32
    %mul3A_153 = arith.muli %arg1, %mul3A : i32
    %mul3A_154 = arith.constant 624 : i32
    %mul3A_155 = arith.muli %arg1, %mul3A_154 : i32
    "tpu.region"() ({
      %run_scoped3A = tpu.sem_alloc : memref<!tpu.dma_semaphore, #tpu.memory_space<semaphore_mem>>
      %dma_start3A_161 = arith.constant 0 : i32
      %dma_start3A_162 = arith.constant 0 : i32
      %dma_start3A_163 = tpu.memref_slice %arg5[%arg0, %dma_start3A_161, %dma_start3A_162] : memref<2x10000x128xf32, #tpu.memory_space<hbm>> -> memref<1x10000x128xf32, #tpu.memory_space<hbm>>
      %dma_start3A_164 = tpu.memref_squeeze %dma_start3A_163 : memref<1x10000x128xf32, #tpu.memory_space<hbm>> -> memref<10000x128xf32, #tpu.memory_space<hbm>>
      %dma_start3A_165 = arith.constant 0 : i32
      %dma_start3A_166 = tpu.memref_slice %dma_start3A_164[%mul3A_155, %dma_start3A_165] : memref<10000x128xf32, #tpu.memory_space<hbm>> -> memref<624x128xf32, #tpu.memory_space<hbm>>
      %dma_start3A_167 = arith.constant 0 : i32
      %dma_start3A_168 = tpu.memref_slice %arg6[%mul3A_153, %dma_start3A_167] : memref<10000x128xf32, #tpu.memory_space<vmem_shared>> -> memref<624x128xf32, #tpu.memory_space<vmem_shared>>
      tpu.enqueue_dma source(%dma_start3A_168 : memref<624x128xf32, #tpu.memory_space<vmem_shared>>) target(%dma_start3A_166 : memref<624x128xf32, #tpu.memory_space<hbm>>) target_semaphore(%run_scoped3A : memref<!tpu.dma_semaphore, #tpu.memory_space<semaphore_mem>>)
      %dma_wait3A_169 = arith.constant 0 : i32
      %dma_wait3A_170 = arith.constant 0 : i32
      %dma_wait3A_171 = tpu.memref_slice %arg5[%arg0, %dma_wait3A_169, %dma_wait3A_170] : memref<2x10000x128xf32, #tpu.memory_space<hbm>> -> memref<1x10000x128xf32, #tpu.memory_space<hbm>>
      %dma_wait3A_172 = tpu.memref_squeeze %dma_wait3A_171 : memref<1x10000x128xf32, #tpu.memory_space<hbm>> -> memref<10000x128xf32, #tpu.memory_space<hbm>>
      %dma_wait3A_173 = arith.constant 0 : i32
      %dma_wait3A_174 = tpu.memref_slice %dma_wait3A_172[%mul3A_155, %dma_wait3A_173] : memref<10000x128xf32, #tpu.memory_space<hbm>> -> memref<624x128xf32, #tpu.memory_space<hbm>>
      %dma_wait3A_175 = arith.constant 0 : i32
      %dma_wait3A_176 = tpu.memref_slice %arg6[%mul3A_153, %dma_wait3A_175] : memref<10000x128xf32, #tpu.memory_space<vmem_shared>> -> memref<624x128xf32, #tpu.memory_space<vmem_shared>>
      tpu.wait_dma2 semaphore(%run_scoped3A : memref<!tpu.dma_semaphore, #tpu.memory_space<semaphore_mem>>) src(%dma_wait3A_176 : memref<624x128xf32, #tpu.memory_space<vmem_shared>>) dst(%dma_wait3A_174 : memref<624x128xf32, #tpu.memory_space<hbm>>)
      tpu.yield
    }) : () -> ()
    %eq3A_156 = arith.constant 0 : i32
    %eq3A_157 = arith.cmpi eq, %arg1, %eq3A_156 : i32
    %convert_element_type3A_158 = arith.extui %eq3A_157 : i1 to i32
    %cond3A_159 = arith.constant 0 : i32
    %cond3A_160 = arith.cmpi ne, %convert_element_type3A_158, %cond3A_159 : i32
    scf.if %cond3A_160 {
      "tpu.region"() ({
        %run_scoped3A = tpu.sem_alloc : memref<!tpu.dma_semaphore, #tpu.memory_space<semaphore_mem>>
        %dma_start3A_161 = arith.constant 0 : i32
        %dma_start3A_162 = arith.constant 0 : i32
        %dma_start3A_163 = tpu.memref_slice %arg5[%arg0, %dma_start3A_161, %dma_start3A_162] : memref<2x10000x128xf32, #tpu.memory_space<hbm>> -> memref<1x10000x128xf32, #tpu.memory_space<hbm>>
        %dma_start3A_164 = tpu.memref_squeeze %dma_start3A_163 : memref<1x10000x128xf32, #tpu.memory_space<hbm>> -> memref<10000x128xf32, #tpu.memory_space<hbm>>
        %dma_start3A_165 = arith.constant 9984 : i32
        %dma_start3A_166 = arith.constant 0 : i32
        %dma_start3A_167 = tpu.memref_slice %dma_start3A_164[%dma_start3A_165, %dma_start3A_166] : memref<10000x128xf32, #tpu.memory_space<hbm>> -> memref<16x128xf32, #tpu.memory_space<hbm>>
        %dma_start3A_168 = arith.constant 9984 : i32
        %dma_start3A_169 = arith.constant 0 : i32
        %dma_start3A_170 = tpu.memref_slice %arg6[%dma_start3A_168, %dma_start3A_169] : memref<10000x128xf32, #tpu.memory_space<vmem_shared>> -> memref<16x128xf32, #tpu.memory_space<vmem_shared>>
        tpu.enqueue_dma source(%dma_start3A_170 : memref<16x128xf32, #tpu.memory_space<vmem_shared>>) target(%dma_start3A_167 : memref<16x128xf32, #tpu.memory_space<hbm>>) target_semaphore(%run_scoped3A : memref<!tpu.dma_semaphore, #tpu.memory_space<semaphore_mem>>)
        %dma_wait3A_171 = arith.constant 0 : i32
        %dma_wait3A_172 = arith.constant 0 : i32
        %dma_wait3A_173 = tpu.memref_slice %arg5[%arg0, %dma_wait3A_171, %dma_wait3A_172] : memref<2x10000x128xf32, #tpu.memory_space<hbm>> -> memref<1x10000x128xf32, #tpu.memory_space<hbm>>
        %dma_wait3A_174 = tpu.memref_squeeze %dma_wait3A_173 : memref<1x10000x128xf32, #tpu.memory_space<hbm>> -> memref<10000x128xf32, #tpu.memory_space<hbm>>
        %dma_wait3A_175 = arith.constant 9984 : i32
        %dma_wait3A_176 = arith.constant 0 : i32
        %dma_wait3A_177 = tpu.memref_slice %dma_wait3A_174[%dma_wait3A_175, %dma_wait3A_176] : memref<10000x128xf32, #tpu.memory_space<hbm>> -> memref<16x128xf32, #tpu.memory_space<hbm>>
        %dma_wait3A_178 = arith.constant 9984 : i32
        %dma_wait3A_179 = arith.constant 0 : i32
        %dma_wait3A_180 = tpu.memref_slice %arg6[%dma_wait3A_178, %dma_wait3A_179] : memref<10000x128xf32, #tpu.memory_space<vmem_shared>> -> memref<16x128xf32, #tpu.memory_space<vmem_shared>>
        tpu.wait_dma2 semaphore(%run_scoped3A : memref<!tpu.dma_semaphore, #tpu.memory_space<semaphore_mem>>) src(%dma_wait3A_180 : memref<16x128xf32, #tpu.memory_space<vmem_shared>>) dst(%dma_wait3A_177 : memref<16x128xf32, #tpu.memory_space<hbm>>)
        tpu.yield
      }) : () -> ()
    } else {
    }
    return
  }
}

</mosaic_0001>

<sc_bundles>
// kernel: _sc_agg.3.cloned.1.call-start
scs
__scs_entry_jumppad:
0x0: {  	(pc) =	sbr.rel $0x88, $3  }
0x1: {  	(tag) =	ssettag $0x0;
	lr =	simm.s32 $0x1  }
0x2: {  	[smem:$0x3F9E] =	sst lr;
	_ =	strace $0xD0000000  }
0x3: {  	_ = 	snop  }
0x4: {  	_ = 	snop  }
0x5: {  	_ = 	snop  }
0x6: {  	_ = 	snop  }
0x7: {  	_ = 	snop  }
__scs_overlays_trampoline_lowered:
0x8: {  	[smem:$0x3FAD] =	sst s0  }
0x9: {  	[smem:$0x3FAE] =	sst s1  }
0xa: {  	[smem:$0x3FAF] =	sst s2  }
0xb: {  	[smem:$0x3FB0] =	sst s3  }
0xc: {  	[smem:$0x3FB1] =	sst s4  }
0xd: {  	[smem:$0x3FB2] =	sst s5  }
0xe: {  	[smem:$0x3FB3] =	sst s6  }
0xf: {  	[smem:$0x3FB4] =	sst s7  }
0x10: {  	[smem:$0x3FB5] =	sst s8  }
0x11: {  	[smem:$0x3FB6] =	sst s9;
	s0 =	simm.s32 @!p0 $0x0  }
0x12: {  	s1 =	sld [smem:$0x3F9C];
	s0 =	simm.s32 @p0 $0x1  }
0x13: {  	[smem:$0x3FB7] =	sst s0;
	s0 =	simm.s32 @!p1 $0x0  }
0x14: {  	s2 =	sld [smem:$0x3F9B];
	s0 =	simm.s32 @p1 $0x1  }
0x15: {  	[smem:$0x3FB8] =	sst s0;
	s0 =	simm.s32 @!p2 $0x0  }
0x16: {  	s3 =	sld [smem:$0x3FDB];
	s0 =	simm.s32 @p2 $0x1  }
0x17: {  	s4 =	simm.s32 $0x1BF5;
	[smem:$0x3FBA] =	sst s0  }
0x18: {  	s0 =	sld [smem:$0x3F9D];
	_ =	swait.ge [sflag:s4], $0x0  }
0x19: {  	s7 =	sld [smem:$0x3F9E]  }
0x1a: {  	s8 =	sadd.s32 $0xFFFFE003, lr  }
0x1b: {  	s9 =	sadd.s32 $0xFFFFFEF7, lr;
	s5 =	simm.s32 $0xFFFFFFFF;
	p2 =	slt.u32 s8, $0xFFFFF086  }
0x1c: {  	p1 =	slt.u32 s9, $0xF7A;
	s5 =	simm.s32 @!p2 $0x0  }
0x1d: {  	s5 =	simm.s32 @p1 $0x1;
	p0 =	seq.s32 s7, s2  }
0x1e: {  	s7 =	smul.u32 @!p0 $0xF7A, s2;
	p2 =	seq.s32 @!p0 s5, $0x0  }
0x1f: {  	s9 =	smul.u32 $0xF7A, s1;
	s8 =	simm.s32 @!p0 $0x1BF5;
	p2 =	por !p2, p0  }
0x20: {  	[sflag:s8] =	ssyncset.s32 @!p0 $0xFFFFF086;
	s6 =	sadd.s32 @!p0 s3, s7;
	s7 =	simm.s32 @!p0 $0x108  }
0x21: {  	s3 =	sadd.s32 s3, s9;
	s6 =	sadd.s32 @!p0 $0x88, s6;
	s7 =	simm.s32 @p2 $0x1082  }
0x22: {  	[simem:s7], [sflag:s8] =	dma.local @!p0 [hbm:s6], $0xF7A  }
0x23: {  	s9 =	sor.u32 $0xD0000000, s2;
	s6 =	simm.s32 $0x108;
	_ =	swait.ge @!p0 [sflag:s8], $0x0  }
0x24: {  	s3 =	sadd.s32 $0x88, s3;
	s6 =	simm.s32 @!p1 $0x1082;
	[sflag:s4] =	ssyncset.s32 $0xFFFFF086  }
0x25: {  	[simem:s6], [sflag:s4] =	dma.local [hbm:s3], $0xF7A  }
0x26: {  	[smem:$0x3F9E] =	sst s1;
	(tag) =	ssettag s2;
	_ =	strace s9  }
0x27: {  	s1 =	sld [smem:$0x3FAE]  }
0x28: {  	s2 =	sld [smem:$0x3FAF]  }
0x29: {  	s4 =	sld [smem:$0x3FB1]  }
0x2a: {  	p0 =	seq.s32 s5, $0x0;
	s5 =	sld [smem:$0x3FB2]  }
0x2b: {  	s6 =	sld [smem:$0x3FB3]  }
0x2c: {  	s7 =	sld [smem:$0x3FB4]  }
0x2d: {  	s3 =	simm.s32 $0x108;
	s8 =	sld [smem:$0x3FB5]  }
0x2e: {  	s3 =	simm.s32 @!p0 $0x1082;
	s9 =	sld [smem:$0x3FB6]  }
0x2f: {  	lr =	sadd.s32 s0, s3;
	s0 =	sld [smem:$0x3FAD]  }
0x30: {  	s3 =	sld [smem:$0x3FB0]  }
0x31: {  	[smem:$0x3FB9] =	sst s10  }
0x32: {  	s10 =	sld [smem:$0x3FB7];
	_ =	sdelay $0x3  }
0x33: {  	p0 =	seq.s32 s10, $0x1;
	s10 =	sld [smem:$0x3FB9];
	_ =	sdelay $0x3  }
0x34: {  	[smem:$0x3FB9] =	sst s10  }
0x35: {  	s10 =	sld [smem:$0x3FB8];
	_ =	sdelay $0x3  }
0x36: {  	p1 =	seq.s32 s10, $0x1;
	s10 =	sld [smem:$0x3FB9];
	_ =	sdelay $0x3  }
0x37: {  	[smem:$0x3FB9] =	sst s10  }
0x38: {  	s10 =	sld [smem:$0x3FBA]  }
0x39: {  	_ = 	snop;
	(pc) =	sbr.ind lr, $3  }
0x3a: {  	_ = 	snop  }
0x3b: {  	_ = 	snop  }
0x3c: {  	p2 =	seq.s32 s10, $0x1;
	s10 =	sld [smem:$0x3FB9]  }
0x3d: {  	_ =	shalt  }
0x3e: {  	_ =	shalt  }
0x3f: {  	_ =	shalt  }
0x40: {  	_ =	shalt  }
0x41: {  	_ =	shalt  }
0x42: {  	_ =	shalt  }
0x43: {  	_ =	shalt  }
0x44: {  	_ =	shalt  }
0x45: {  	_ =	shalt  }
0x46: {  	_ =	shalt  }
0x47: {  	_ =	shalt  }
0x48: {  	_ =	shalt  }
0x49: {  	_ =	shalt  }
0x4a: {  	_ =	shalt  }
0x4b: {  	_ =	shalt  }
0x4c: {  	_ =	shalt  }
0x4d: {  	_ =	shalt  }
0x4e: {  	_ =	shalt  }
0x4f: {  	_ =	shalt  }
0x50: {  	_ =	shalt  }
0x51: {  	_ =	shalt  }
0x52: {  	_ =	shalt  }
0x53: {  	_ =	shalt  }
0x54: {  	_ =	shalt  }
0x55: {  	_ =	shalt  }
0x56: {  	_ =	shalt  }
0x57: {  	_ =	shalt  }
0x58: {  	_ =	shalt  }
0x59: {  	_ =	shalt  }
0x5a: {  	_ =	shalt  }
0x5b: {  	_ =	shalt  }
0x5c: {  	_ =	shalt  }
0x5d: {  	_ =	shalt  }
0x5e: {  	_ =	shalt  }
0x5f: {  	_ =	shalt  }
0x60: {  	_ =	shalt  }
0x61: {  	_ =	shalt  }
0x62: {  	_ =	shalt  }
0x63: {  	_ =	shalt  }
0x64: {  	_ =	shalt  }
0x65: {  	_ =	shalt  }
0x66: {  	_ =	shalt  }
0x67: {  	_ =	shalt  }
0x68: {  	_ =	shalt  }
0x69: {  	_ =	shalt  }
0x6a: {  	_ =	shalt  }
0x6b: {  	_ =	shalt  }
0x6c: {  	_ =	shalt  }
0x6d: {  	_ =	shalt  }
0x6e: {  	_ =	shalt  }
0x6f: {  	_ =	shalt  }
0x70: {  	_ =	shalt  }
0x71: {  	_ =	shalt  }
0x72: {  	_ =	shalt  }
0x73: {  	_ =	shalt  }
0x74: {  	_ =	shalt  }
0x75: {  	_ =	shalt  }
0x76: {  	_ =	shalt  }
0x77: {  	_ =	shalt  }
0x78: {  	_ =	shalt  }
0x79: {  	_ =	shalt  }
0x7a: {  	_ =	shalt  }
0x7b: {  	_ =	shalt  }
0x7c: {  	_ =	shalt  }
0x7d: {  	_ =	shalt  }
0x7e: {  	_ =	shalt  }
0x7f: {  	_ =	shalt  }
0x80: {  	_ =	shalt  }
0x81: {  	_ =	shalt  }
0x82: {  	_ =	shalt  }
0x83: {  	_ =	shalt  }
0x84: {  	_ =	shalt  }
0x85: {  	_ =	shalt  }
0x86: {  	_ =	shalt  }
0x87: {  	_ =	shalt  }
.Lfunc_end0:
.L_simem_size_0:
called_computation_lowered:
.L_overlay_start_0:
0x88: {  	s2 =	sld [smem:$0x3FD9]  }
0x89: {  	s3 =	sld [smem:$0x3FFE];
	_ =	sdelay $0x1  }
0x8a: {  	s1 =	srdreg.scid  }
0x8b: {  	s0 =	sand.u32 $0x1, s1  }
0x8c: {  	s17 =	sshll.u32 s0, $0xA;
	s2 =	sadd.s32 s3, s2  }
0x8d: {  	s2 =	sadd.s32 s2, s17  }
0x8e: {  	[smem:$0x3FC5] =	sst s2  }
0x8f: {  	_ = 	snop  }
0x90: {  	s2 =	sld [smem:$0x3FC9]  }
0x91: {  	s18 =	sld [smem:$0x3FD0];
	(tm) =	ssettm $0x1  }
0x92: {  	s4 =	sld [smem:$0x3FFB];
	_ =	sdelay $0x3  }
0x93: {  	_ =	strace s4  }
0x94: {  	s4 =	sld [smem:$0x3FFC];
	_ =	sdelay $0x3  }
0x95: {  	_ =	strace s4  }
0x96: {  	s4 =	sld [smem:$0x3FFD];
	_ =	sdelay $0x3  }
0x97: {  	_ =	strace s4  }
0x98: {  	_ =	strace $0x8FFFFFFF  }
0x99: {  	s19 =	sld [smem:$0x3FDB];
	_ =	sdelay $0x1  }
0x9a: {  	s5 =	simm.s32 $_scs_section_size  }
0x9b: {  	s6 =	simm.s32 $_size__tile_overlayer_lowered;
	s7 =	simm.s32 $_tile_overlayer_lowered  }
0x9c: {  	s22 =	simm.s32 $0x1BFF;
	s21 =	sshll.u32 s7, $0x1;
	s4 =	sadd.s32 s5, s19  }
0x9d: {  	s8 =	simm.s32 $0x0;
	s20 =	sshll.u32 s6, $0x1;
	s6 =	sadd.s32 s21, s4  }
0x9e: {  	[timem:s8], [sflag:s22] =	dma.local [hbm:s6], s20  }
0x9f: {  	_ =	swait.ge [sflag:s22], s20  }
0xa0: {  	s5 =	ssub.s32 $0x0, s20;
	[sflag:s22] =	ssyncset.done $0x0  }
0xa1: {  	[sflag:s22] =	ssyncadd.s32 s5;
	_ =	sdelay $0x1  }
0xa2: {  	s23 =	simm.s32 $0x1B8B  }
0xa3: {  	_ =	swait.ge [sflag:s23], $0x1  }
0xa4: {  	[sflag:s23] =	ssyncset.done $0x0  }
0xa5: {  	s25 =	simm.s32 $0x1B8E;
	s24 =	sld [smem:$0x3FFE];
	[sflag:s23] =	ssyncadd.s32 $0xFFFFFFFF  }
0xa6: {  	s26 =	simm.s32 $execute0_lowered;
	[smem:$0x3FD2] =	sst s25  }
0xa7: {  	s6 =	sshll.u32 s26, $0x1;
	_ =	strace $0x80000046;
	[dreg:$0x1] =	wrdreg $0xFFFFFFFF  }
0xa8: {  	s28 =	simm.s32 $_size_execute0_lowered;
	s4 =	sadd.s32 s4, s6;
	[dreg:$0x0] =	wrdreg $0x0  }
0xa9: {  	s6 =	sshll.u32 s28, $0x1;
	[dreg:$0x2] =	wrdreg s4  }
0xaa: {  	[dreg:$0x3] =	wrdreg s6  }
0xab: {  	[dreg:$0x4] =	wrdreg $0xC0  }
0xac: {  	_ =	task [dreg:s8], $0x5FFFF  }
0xad: {  	[dreg:$0x1] =	wrdreg $0xFFFFFFFF  }
0xae: {  	[dreg:$0x0] =	wrdreg $0x60  }
0xaf: {  	[dreg:$0x2] =	wrdreg s2  }
0xb0: {  	[dreg:$0x3] =	wrdreg s24  }
0xb1: {  	[dreg:$0x4] =	wrdreg s18  }
0xb2: {  	[dreg:$0x5] =	wrdreg $0x0  }
0xb3: {  	[dreg:$0x6] =	wrdreg $0x9  }
0xb4: {  	_ =	task.clear_ibuf [dreg:s8], $0x7FFFF;
	_ =	strace $0x90000046  }
0xb5: {  	s29 =	simm.s32 $0x9;
	_ =	strace $0x80000048  }
0xb6: {  	_ =	swait.ge [sflag:s29], $0x1  }
0xb7: {  	[sflag:s29] =	ssyncadd.s32 $0xFFFFFFFF  }
0xb8: {  	_ =	strace $0x90000048  }
0xb9: {  	_ =	sfence  }
0xba: {  	s30 =	sld [smem:$0x0];
	_ =	sdelay $0x2  }
0xbb: {  	s31 =	sshll.u32 s1, $0xD;
	s1 =	sshrl.u32 s1, $0x2  }
0xbc: {  	s3 =	sand.u32 $0x4000, s31;
	s1 =	sadd.s32 s1, s30  }
0xbd: {  	s0 =	sor.u32 s3, s0;
	s1 =	sshll.u32 s1, $0x11  }
0xbe: {  	s0 =	sor.u32 s1, s0  }
0xbf: {  	s0 =	sadd.s32 $0x8F2B, s0  }
0xc0: {  	[sflag:s0] =	ssyncadd.remote.s32 $0x1  }
0xc1: {  	_ =	sfence.sel $0xFFFF  }
0xc2: {  	[dreg:$0x0] =	wrdreg $0xFFFFFFFF;
	(pc) =	sbr.abs _section_cstart, $3  }
0xc3: {  	[dreg:$0x1] =	wrdreg $0xFFFFFFFF  }
0xc4: {  	_ =	task.clear_ibuf [dreg:s8], $0x2FFFF;
	_ =	strace $0x9FFFFFFF  }
0xc5: {  	(tm) =	ssettm $0x7FFFFFFF  }
tec
execute0_lowered:
.L_overlay_start_1:
0x0: {  	(tag) =	ssettag $0x1  }
0x1: {  	s0 =	rddreg [dreg:$0x0]  }
0x2: {  	s3 =	rddreg [dreg:$0x1]  }
0x3: {  	s9 =	rddreg [dreg:$0x2]  }
0x4: {  	s1 =	rddreg [dreg:$0x3]  }
0x5: {  	s2 =	simm.s32 $0x0;
	s12 =	stileid.u32;
	s4 =	srdreg.scid  }
0x6: {  	[smem:$0x7FF] =	sst s2;
	s5 =	sand.u32 $0x1, s4;
	s8 =	smul.u32 $0x4E000, s12  }
0x7: {  	s6 =	sshll.u32 s12, $0xB;
	_ =	strace $0x80000047;
	s7 =	ssub.s32 $0x2, s5  }
0x8: {  	s3 =	sadd.s32 s6, s3;
	s11 =	smul.u32 $0x27100, s5;
	s10 =	sshrl.u32 s7, $0x1  }
0x9: {  	s4 =	sshrl.u32 s8, $0x2;
	s6 =	sadd.s32 $0x400, s3;
	s10 =	ssub.s32 s7, s10  }
0xa: {  	s4 =	sadd.s32 s4, s1;
	s7 =	sadd.s32 $0x8400, s3;
	s3 =	sadd.s32 s9, s11  }
0xb: {  	s8 =	sadd.s32 s0, s11;
	s11 =	smax.u32 s10, $0x1;
	[dreg:$0x5] =	wrdreg s3  }
0xc: {  	s13 =	sadd.s32 $0x800, s4;
	[dreg:$0x6] =	wrdreg s11  }
0xd: {  	s14 =	sadd.s32 $0x1000, s4;
	[dreg:$0x7] =	wrdreg s13  }
0xe: {  	s15 =	sadd.s32 $0x1800, s4;
	[dreg:$0x8] =	wrdreg s14  }
0xf: {  	s16 =	sadd.s32 $0x2000, s4;
	[dreg:$0x9] =	wrdreg s15  }
0x10: {  	s17 =	sadd.s32 $0x2800, s4;
	[dreg:$0xa] =	wrdreg s16  }
0x11: {  	s18 =	sadd.s32 $0x3000, s4;
	[dreg:$0xb] =	wrdreg s17  }
0x12: {  	s19 =	sadd.s32 $0x3800, s4;
	[dreg:$0xc] =	wrdreg s18  }
0x13: {  	s20 =	sadd.s32 $0x4000, s4;
	[dreg:$0xd] =	wrdreg s19  }
0x14: {  	s21 =	sadd.s32 $0x4800, s4;
	[dreg:$0xe] =	wrdreg s20  }
0x15: {  	s22 =	sadd.s32 $0x5000, s4;
	[dreg:$0xf] =	wrdreg s21  }
0x16: {  	s23 =	sadd.s32 $0x5800, s4;
	[dreg:$0x10] =	wrdreg s22  }
0x17: {  	s24 =	sadd.s32 $0x6000, s4;
	[dreg:$0x11] =	wrdreg s23  }
0x18: {  	s25 =	sadd.s32 $0x6800, s4;
	[dreg:$0x12] =	wrdreg s24  }
0x19: {  	s26 =	sadd.s32 $0x7000, s4;
	[dreg:$0x13] =	wrdreg s25  }
0x1a: {  	s9 =	sadd.s32 $0x7800, s4;
	[dreg:$0x14] =	wrdreg s26  }
0x1b: {  	s0 =	smul.u32 $0x2700, s12;
	s10 =	sadd.s32 $0x8000, s4;
	[dreg:$0x16] =	wrdreg s9  }
0x1c: {  	p0 =	sne.s32 s12, $0x0;
	s12 =	sadd.s32 $0x9000, s4;
	[dreg:$0x17] =	wrdreg s10  }
0x1d: {  	s0 =	sadd.s32 s0, s3;
	[dreg:$0x19] =	wrdreg s12  }
0x1e: {  	s11 =	sadd.s32 $0x8800, s4;
	[dreg:$0x15] =	wrdreg s0  }
0x1f: {  	s13 =	sadd.s32 $0x9800, s4;
	[dreg:$0x18] =	wrdreg s11  }
0x20: {  	s14 =	sadd.s32 $0xA000, s4;
	[dreg:$0x1a] =	wrdreg s13  }
0x21: {  	s15 =	sadd.s32 $0xA800, s4;
	[dreg:$0x1b] =	wrdreg s14  }
0x22: {  	s16 =	sadd.s32 $0xB000, s4;
	[dreg:$0x1c] =	wrdreg s15  }
0x23: {  	s17 =	sadd.s32 $0xB800, s4;
	[dreg:$0x1d] =	wrdreg s16  }
0x24: {  	s18 =	sadd.s32 $0xC000, s4;
	[dreg:$0x1e] =	wrdreg s17  }
0x25: {  	s28 =	simm.s32 $0x3;
	s19 =	sadd.s32 $0xC800, s4;
	[dreg:$0x1f] =	wrdreg s18  }
0x26: {  	s29 =	simm.s32 $0x14080;
	s20 =	sadd.s32 $0xD000, s4;
	[smem:$0x7F6] =	sst s19  }
0x27: {  	s30 =	simm.s32 $0x5;
	s21 =	sadd.s32 $0xD800, s4;
	[smem:$0x7F7] =	sst s20  }
0x28: {  	s31 =	simm.s32 $0x16080;
	s22 =	sadd.s32 $0xE000, s4;
	[smem:$0x7F8] =	sst s21  }
0x29: {  	s5 =	sadd.s32 $0x138000, s1;
	s23 =	sadd.s32 $0xE800, s4;
	[smem:$0x7F9] =	sst s22  }
0x2a: {  	s24 =	sadd.s32 $0xF000, s4;
	s25 =	sadd.s32 $0xF800, s4;
	[smem:$0x7FA] =	sst s23  }
0x2b: {  	s26 =	sadd.s32 $0x10000, s4;
	s9 =	sadd.s32 $0x10800, s4;
	[smem:$0x7FB] =	sst s24  }
0x2c: {  	s3 =	simm.s32 $0x18080;
	s10 =	simm.s32 $0x14100;
	[smem:$0x7FC] =	sst s25  }
0x2d: {  	s12 =	simm.s32 $0x1;
	[smem:$0x7FD] =	sst s26;
	s21 =	sadd.s32 $0x11000, s4  }
0x2e: {  	s22 =	sadd.s32 $0x11800, s4;
	s23 =	sadd.s32 $0x12000, s4;
	s24 =	sadd.s32 $0x12800, s4  }
0x2f: {  	s25 =	sadd.s32 $0x13000, s4;
	s26 =	simm.s32 $0x13880;
	s0 =	simm.s32 $0x50  }
0x30: {  	s11 =	simm.s32 $0x1A880;
	s13 =	simm.s32 $0x14180;
	s14 =	simm.s32 $0x2  }
0x31: {  	v0 =	vimm.f32 $0.0e+00;
	s15 =	simm.s32 $0x16100;
	s16 =	simm.s32 $0x4;
	s17 =	simm.s32 $0x0  }
.LBB2_1:
0x32: {  	s18 =	simm.s32 $0x0;
	s19 =	simm.s32 $0x200  }
.LBB2_2:
0x33: {  	p1 =	sne.s32 s19, $0x1E00;
	[tilespmem:s18+$0x138F0] =	vst v0  }
0x34: {  	[tilespmem:s18+$0x13880] =	vst v0  }
0x35: {  	[tilespmem:s18+$0x13890] =	vst v0  }
.Ltmp0:
0x36: {  	[tilespmem:s18+$0x138A0] =	vst v0;
	(pc) =	sbr.rel @p1 .LBB2_2-.Ltmp0, $4  }
0x37: {  	[tilespmem:s18+$0x138B0] =	vst v0  }
0x38: {  	[tilespmem:s18+$0x138C0] =	vst v0  }
0x39: {  	[tilespmem:s18+$0x138D0] =	vst v0  }
0x3a: {  	[tilespmem:s18+$0x138E0] =	vst v0;
	s18 =	sshra.s32 s19, $0x2;
	s19 =	sadd.s32 $0x200, s19  }
0x3b: {  	[tilespmem:s18+$0x138F0] =	vst v0  }
0x3c: {  	[tilespmem:s18+$0x13880] =	vst v0  }
0x3d: {  	[tilespmem:s18+$0x13890] =	vst v0  }
0x3e: {  	[tilespmem:s18+$0x138A0] =	vst v0  }
0x3f: {  	[tilespmem:s18+$0x138B0] =	vst v0  }
0x40: {  	[tilespmem:s18+$0x138C0] =	vst v0  }
0x41: {  	[tilespmem:s18+$0x138D0] =	vst v0  }
0x42: {  	[tilespmem:s18+$0x138E0] =	vst v0;
	s19 =	rddreg [dreg:$0x7]  }
0x43: {  	[spmem:s4] =	stream.linear.scatter [tilespmem:s26], [sflag:$0x3], $0x800, $0x38;
	[tilespmem:$0x1D080] =	vst v63  }
0x44: {  	s20 =	rddreg [dreg:$0x8]  }
0x45: {  	[spmem:s19] =	stream.linear.scatter [tilespmem:s26], [sflag:$0x3], $0x800, $0x38;
	[tilespmem:$0x1D080] =	vst v63  }
0x46: {  	s19 =	rddreg [dreg:$0x9]  }
0x47: {  	[spmem:s20] =	stream.linear.scatter [tilespmem:s26], [sflag:$0x3], $0x800, $0x38;
	[tilespmem:$0x1D080] =	vst v63  }
0x48: {  	s20 =	rddreg [dreg:$0xa]  }
0x49: {  	[spmem:s19] =	stream.linear.scatter [tilespmem:s26], [sflag:$0x3], $0x800, $0x38;
	[tilespmem:$0x1D080] =	vst v63  }
0x4a: {  	s19 =	rddreg [dreg:$0xb]  }
0x4b: {  	[spmem:s20] =	stream.linear.scatter [tilespmem:s26], [sflag:$0x3], $0x800, $0x38;
	[tilespmem:$0x1D080] =	vst v63  }
0x4c: {  	s20 =	rddreg [dreg:$0xc]  }
0x4d: {  	[spmem:s19] =	stream.linear.scatter [tilespmem:s26], [sflag:$0x3], $0x800, $0x38;
	[tilespmem:$0x1D080] =	vst v63  }
0x4e: {  	s19 =	rddreg [dreg:$0xd]  }
0x4f: {  	[spmem:s20] =	stream.linear.scatter [tilespmem:s26], [sflag:$0x3], $0x800, $0x38;
	[tilespmem:$0x1D080] =	vst v63  }
0x50: {  	s20 =	rddreg [dreg:$0xe]  }
0x51: {  	[spmem:s19] =	stream.linear.scatter [tilespmem:s26], [sflag:$0x3], $0x800, $0x38;
	[tilespmem:$0x1D080] =	vst v63  }
0x52: {  	s19 =	rddreg [dreg:$0xf]  }
0x53: {  	[spmem:s20] =	stream.linear.scatter [tilespmem:s26], [sflag:$0x3], $0x800, $0x38;
	[tilespmem:$0x1D080] =	vst v63  }
0x54: {  	s20 =	rddreg [dreg:$0x10]  }
0x55: {  	[spmem:s19] =	stream.linear.scatter [tilespmem:s26], [sflag:$0x3], $0x800, $0x38;
	[tilespmem:$0x1D080] =	vst v63  }
0x56: {  	s19 =	rddreg [dreg:$0x11]  }
0x57: {  	[spmem:s20] =	stream.linear.scatter [tilespmem:s26], [sflag:$0x3], $0x800, $0x38;
	[tilespmem:$0x1D080] =	vst v63  }
0x58: {  	s20 =	rddreg [dreg:$0x12]  }
0x59: {  	[spmem:s19] =	stream.linear.scatter [tilespmem:s26], [sflag:$0x3], $0x800, $0x38;
	[tilespmem:$0x1D080] =	vst v63  }
0x5a: {  	s19 =	rddreg [dreg:$0x13]  }
0x5b: {  	[spmem:s20] =	stream.linear.scatter [tilespmem:s26], [sflag:$0x3], $0x800, $0x38;
	[tilespmem:$0x1D080] =	vst v63  }
0x5c: {  	s20 =	rddreg [dreg:$0x14]  }
0x5d: {  	[spmem:s19] =	stream.linear.scatter [tilespmem:s26], [sflag:$0x3], $0x800, $0x38;
	[tilespmem:$0x1D080] =	vst v63  }
0x5e: {  	s19 =	rddreg [dreg:$0x16]  }
0x5f: {  	[spmem:s20] =	stream.linear.scatter [tilespmem:s26], [sflag:$0x3], $0x800, $0x38;
	[tilespmem:$0x1D080] =	vst v63  }
0x60: {  	s20 =	rddreg [dreg:$0x17]  }
0x61: {  	[spmem:s19] =	stream.linear.scatter [tilespmem:s26], [sflag:$0x3], $0x800, $0x38;
	[tilespmem:$0x1D080] =	vst v63  }
0x62: {  	s19 =	rddreg [dreg:$0x18]  }
0x63: {  	[spmem:s20] =	stream.linear.scatter [tilespmem:s26], [sflag:$0x3], $0x800, $0x38;
	[tilespmem:$0x1D080] =	vst v63  }
0x64: {  	s20 =	rddreg [dreg:$0x19]  }
0x65: {  	[spmem:s19] =	stream.linear.scatter [tilespmem:s26], [sflag:$0x3], $0x800, $0x38;
	[tilespmem:$0x1D080] =	vst v63  }
0x66: {  	s19 =	rddreg [dreg:$0x1a]  }
0x67: {  	[spmem:s20] =	stream.linear.scatter [tilespmem:s26], [sflag:$0x3], $0x800, $0x38;
	[tilespmem:$0x1D080] =	vst v63  }
0x68: {  	s20 =	rddreg [dreg:$0x1b]  }
0x69: {  	[spmem:s19] =	stream.linear.scatter [tilespmem:s26], [sflag:$0x3], $0x800, $0x38;
	[tilespmem:$0x1D080] =	vst v63  }
0x6a: {  	s19 =	rddreg [dreg:$0x1c]  }
0x6b: {  	[spmem:s20] =	stream.linear.scatter [tilespmem:s26], [sflag:$0x3], $0x800, $0x38;
	[tilespmem:$0x1D080] =	vst v63  }
0x6c: {  	s20 =	rddreg [dreg:$0x1d]  }
0x6d: {  	[spmem:s19] =	stream.linear.scatter [tilespmem:s26], [sflag:$0x3], $0x800, $0x38;
	[tilespmem:$0x1D080] =	vst v63  }
0x6e: {  	s19 =	rddreg [dreg:$0x1e]  }
0x6f: {  	[spmem:s20] =	stream.linear.scatter [tilespmem:s26], [sflag:$0x3], $0x800, $0x38;
	[tilespmem:$0x1D080] =	vst v63  }
0x70: {  	s20 =	rddreg [dreg:$0x1f]  }
0x71: {  	[spmem:s19] =	stream.linear.scatter [tilespmem:s26], [sflag:$0x3], $0x800, $0x38;
	[tilespmem:$0x1D080] =	vst v63  }
0x72: {  	s19 =	sld [smem:$0x7F6]  }
0x73: {  	[spmem:s20] =	stream.linear.scatter [tilespmem:s26], [sflag:$0x3], $0x800, $0x38;
	[tilespmem:$0x1D080] =	vst v63  }
0x74: {  	s20 =	sld [smem:$0x7F7]  }
0x75: {  	[spmem:s19] =	stream.linear.scatter [tilespmem:s26], [sflag:$0x3], $0x800, $0x38;
	[tilespmem:$0x1D080] =	vst v63  }
0x76: {  	s19 =	sld [smem:$0x7F8]  }
0x77: {  	[spmem:s20] =	stream.linear.scatter [tilespmem:s26], [sflag:$0x3], $0x800, $0x38;
	[tilespmem:$0x1D080] =	vst v63  }
0x78: {  	s20 =	sld [smem:$0x7F9]  }
0x79: {  	[spmem:s19] =	stream.linear.scatter [tilespmem:s26], [sflag:$0x3], $0x800, $0x38;
	[tilespmem:$0x1D080] =	vst v63  }
0x7a: {  	s19 =	sld [smem:$0x7FA]  }
0x7b: {  	[spmem:s20] =	stream.linear.scatter [tilespmem:s26], [sflag:$0x3], $0x800, $0x38;
	[tilespmem:$0x1D080] =	vst v63  }
0x7c: {  	s20 =	sld [smem:$0x7FB]  }
0x7d: {  	[spmem:s19] =	stream.linear.scatter [tilespmem:s26], [sflag:$0x3], $0x800, $0x38;
	[tilespmem:$0x1D080] =	vst v63  }
0x7e: {  	s19 =	sld [smem:$0x7FC]  }
0x7f: {  	[spmem:s20] =	stream.linear.scatter [tilespmem:s26], [sflag:$0x3], $0x800, $0x38;
	[tilespmem:$0x1D080] =	vst v63  }
0x80: {  	s20 =	sld [smem:$0x7FD]  }
0x81: {  	[spmem:s19] =	stream.linear.scatter [tilespmem:s26], [sflag:$0x3], $0x800, $0x38;
	[tilespmem:$0x1D080] =	vst v63  }
0x82: {  	_ = 	snop  }
0x83: {  	[spmem:s20] =	stream.linear.scatter [tilespmem:s26], [sflag:$0x3], $0x800, $0x38;
	[tilespmem:$0x1D080] =	vst v63  }
0x84: {  	_ = 	snop  }
0x85: {  	[spmem:s9] =	stream.linear.scatter [tilespmem:s26], [sflag:$0x3], $0x800, $0x38;
	[tilespmem:$0x1D080] =	vst v63  }
0x86: {  	_ = 	snop  }
0x87: {  	[spmem:s21] =	stream.linear.scatter [tilespmem:s26], [sflag:$0x3], $0x800, $0x38;
	[tilespmem:$0x1D080] =	vst v63  }
0x88: {  	_ = 	snop  }
0x89: {  	[spmem:s22] =	stream.linear.scatter [tilespmem:s26], [sflag:$0x3], $0x800, $0x38;
	[tilespmem:$0x1D080] =	vst v63  }
0x8a: {  	_ = 	snop  }
0x8b: {  	[spmem:s23] =	stream.linear.scatter [tilespmem:s26], [sflag:$0x3], $0x800, $0x38;
	[tilespmem:$0x1D080] =	vst v63  }
0x8c: {  	_ = 	snop  }
0x8d: {  	[spmem:s24] =	stream.linear.scatter [tilespmem:s26], [sflag:$0x3], $0x800, $0x38;
	[tilespmem:$0x1D080] =	vst v63  }
0x8e: {  	_ = 	snop  }
0x8f: {  	[spmem:s25] =	stream.linear.scatter [tilespmem:s26], [sflag:$0x3], $0x800, $0x38;
	[tilespmem:$0x1D080] =	vst v63  }
0x90: {  	s18 =	simm.s32 @!p0 $0x13880  }
0x91: {  	[spmem:s5] =	stream.linear.scatter @!p0 [tilespmem:s18], [sflag:$0x4], $0x800, $0x38;
	[tilespmem:$0x1D080] =	vst v63  }
0x92: {  	_ =	swait.ge [sflag:s28], $0x800  }
0x93: {  	s18 =	simm.s32 $0x26;
	[sflag:s28] =	ssyncset.done $0x0  }
.LBB2_4:
0x94: {  	p1 =	sne.s32 s18, $0x1;
	s18 =	sadd.s32 $0xFFFFFFFF, s18;
	[sflag:s28] =	ssyncadd.s32 $0xFFFFF800  }
.Ltmp1:
0x95: {  	(pc) =	sbr.rel @p1 .LBB2_4-.Ltmp1, $3  }
0x96: {  	_ =	sdelay $0x1  }
0x97: {  	_ =	swait.ge [sflag:s28], $0x800  }
0x98: {  	[sflag:s28] =	ssyncset.done $0x0  }
0x99: {  	[sflag:s28] =	ssyncadd.s32 $0xFFFFF800;
	s18 =	simm.s32 @!p0 $0x4  }
0x9a: {  	_ =	swait.ge @!p0 [sflag:s18], $0x800  }
0x9b: {  	[sflag:s18] =	ssyncset.done @!p0 $0x0  }
0x9c: {  	[sflag:s18] =	ssyncadd.s32 @!p0 $0xFFFFF800  }
0x9d: {  	[bflag:$0x0] =	sbarrier.arrive $0xFFFF  }
0x9e: {  	[tilespmem:s29], [sflag:$0x5] =	stream.linear.gather [hbm4b:s6+s2], $0x2000, $0x38;
	[tilespmem:$0x1D080] =	vst v63  }
0x9f: {  	_ =	swait.ge [sflag:s30], $0x2000  }
0xa0: {  	[sflag:s30] =	ssyncset.done $0x0  }
0xa1: {  	[sflag:s30] =	ssyncadd.s32 $0xFFFFE000  }
0xa2: {  	[tilespmem:s31], [sflag:$0x5] =	stream.linear.gather [hbm4b:s7+s2], $0x2000, $0x38;
	[tilespmem:$0x1D080] =	vst v63  }
0xa3: {  	_ =	swait.ge [sflag:s30], $0x2000  }
0xa4: {  	[sflag:s30] =	ssyncset.done $0x0  }
0xa5: {  	[sflag:s30] =	ssyncadd.s32 $0xFFFFE000  }
0xa6: {  	[tilespmem:s3], [sflag:$0x1] =	stream.indirect.gather [hbm4b:s8+s0], $0x80, s29, s0, $0xb8;
	[tilespmem:$0x1D080] =	vst v63  }
0xa7: {  	_ = 	snop  }
0xa8: {  	[tilespmem:s11], [sflag:$0x2] =	stream.indirect.gather [hbm4b:s8+s0], $0x80, s10, s0, $0xb8;
	[tilespmem:$0x1D080] =	vst v63  }
0xa9: {  	_ =	swait.ge [sflag:s12], $0x2800  }
0xaa: {  	[sflag:s12] =	ssyncset.done $0x0  }
0xab: {  	[sflag:s12] =	ssyncadd.s32 $0xFFFFD800  }
0xac: {  	[spmem:s1] =	stream.indirect.scatter.add.f32 [tilespmem:s3], [sflag:$0x3], $0x80, s31, s0, $0xb8;
	[tilespmem:$0x1D080] =	vst v63  }
0xad: {  	_ =	swait.ge [sflag:s28], $0x2800  }
0xae: {  	[sflag:s28] =	ssyncset.done $0x0  }
0xaf: {  	[sflag:s28] =	ssyncadd.s32 $0xFFFFD800  }
0xb0: {  	[tilespmem:s3], [sflag:$0x1] =	stream.indirect.gather [hbm4b:s8+s0], $0x80, s13, s0, $0xb8;
	[tilespmem:$0x1D080] =	vst v63  }
0xb1: {  	_ =	swait.ge [sflag:s14], $0x2800  }
0xb2: {  	[sflag:s14] =	ssyncset.done $0x0  }
0xb3: {  	[sflag:s14] =	ssyncadd.s32 $0xFFFFD800  }
0xb4: {  	[spmem:s1] =	stream.indirect.scatter.add.f32 [tilespmem:s11], [sflag:$0x4], $0x80, s15, s0, $0xb8;
	[tilespmem:$0x1D080] =	vst v63  }
0xb5: {  	_ =	swait.ge [sflag:s16], $0x2800  }
0xb6: {  	[sflag:s16] =	ssyncset.done $0x0  }
0xb7: {  	s20 =	simm.s32 $0x14200;
	[sflag:s16] =	ssyncadd.s32 $0xFFFFD800  }
0xb8: {  	[tilespmem:s11], [sflag:$0x2] =	stream.indirect.gather [hbm4b:s8+s0], $0x80, s20, s0, $0xb8;
	[tilespmem:$0x1D080] =	vst v63  }
0xb9: {  	_ =	swait.ge [sflag:s12], $0x2800  }
0xba: {  	[sflag:s12] =	ssyncset.done $0x0  }
0xbb: {  	s19 =	simm.s32 $0x16180;
	[sflag:s12] =	ssyncadd.s32 $0xFFFFD800  }
0xbc: {  	[spmem:s1] =	stream.indirect.scatter.add.f32 [tilespmem:s3], [sflag:$0x3], $0x80, s19, s0, $0xb8;
	[tilespmem:$0x1D080] =	vst v63  }
0xbd: {  	_ =	swait.ge [sflag:s28], $0x2800  }
0xbe: {  	[sflag:s28] =	ssyncset.done $0x0  }
0xbf: {  	s20 =	simm.s32 $0x14280;
	[sflag:s28] =	ssyncadd.s32 $0xFFFFD800  }
0xc0: {  	[tilespmem:s3], [sflag:$0x1] =	stream.indirect.gather [hbm4b:s8+s0], $0x80, s20, s0, $0xb8;
	[tilespmem:$0x1D080] =	vst v63  }
0xc1: {  	_ =	swait.ge [sflag:s14], $0x2800  }
0xc2: {  	[sflag:s14] =	ssyncset.done $0x0  }
0xc3: {  	s18 =	simm.s32 $0xFFFF8C00;
	s19 =	simm.s32 $0x16200;
	[sflag:s14] =	ssyncadd.s32 $0xFFFFD800  }
.LBB2_6:
0xc4: {  	[spmem:s1] =	stream.indirect.scatter.add.f32 [tilespmem:s11], [sflag:$0x4], $0x80, s19, s0, $0xb8;
	[tilespmem:$0x1D080] =	vst v63  }
0xc5: {  	s19 =	smov.u32 s18  }
0xc6: {  	p1 =	sne.s32 s18, $0xFFFFFC00;
	s18 =	sadd.s32 $0x400, s18;
	_ =	swait.ge [sflag:s16], $0x2800  }
0xc7: {  	s19 =	sshra.s32 s19, $0x2;
	[sflag:s16] =	ssyncset.done $0x0  }
0xc8: {  	s20 =	sadd.s32 $0x16000, s19;
	[sflag:s16] =	ssyncadd.s32 $0xFFFFD800  }
0xc9: {  	[tilespmem:s11], [sflag:$0x2] =	stream.indirect.gather [hbm4b:s8+s0], $0x80, s20, s0, $0xb8;
	[tilespmem:$0x1D080] =	vst v63  }
0xca: {  	_ =	swait.ge [sflag:s12], $0x2800  }
0xcb: {  	[sflag:s12] =	ssyncset.done $0x0  }
0xcc: {  	s20 =	sadd.s32 $0x17F80, s19;
	[sflag:s12] =	ssyncadd.s32 $0xFFFFD800  }
0xcd: {  	[spmem:s1] =	stream.indirect.scatter.add.f32 [tilespmem:s3], [sflag:$0x3], $0x80, s20, s0, $0xb8;
	[tilespmem:$0x1D080] =	vst v63  }
0xce: {  	_ =	swait.ge [sflag:s28], $0x2800  }
0xcf: {  	[sflag:s28] =	ssyncset.done $0x0  }
.Ltmp2:
0xd0: {  	s20 =	sadd.s32 $0x16080, s19;
	[sflag:s28] =	ssyncadd.s32 $0xFFFFD800;
	(pc) =	sbr.rel @p1 .LBB2_6-.Ltmp2, $4  }
0xd1: {  	[tilespmem:s3], [sflag:$0x1] =	stream.indirect.gather [hbm4b:s8+s0], $0x80, s20, s0, $0xb8;
	[tilespmem:$0x1D080] =	vst v63  }
0xd2: {  	_ =	swait.ge [sflag:s14], $0x2800  }
0xd3: {  	[sflag:s14] =	ssyncset.done $0x0  }
0xd4: {  	s19 =	sadd.s32 $0x18000, s19;
	[sflag:s14] =	ssyncadd.s32 $0xFFFFD800  }
0xd5: {  	[spmem:s1] =	stream.indirect.scatter.add.f32 [tilespmem:s11], [sflag:$0x4], $0x80, s19, s0, $0xb8;
	[tilespmem:$0x1D080] =	vst v63  }
0xd6: {  	_ =	swait.ge [sflag:s16], $0x2800  }
0xd7: {  	[sflag:s16] =	ssyncset.done $0x0  }
0xd8: {  	[sflag:s16] =	ssyncadd.s32 $0xFFFFD800  }
0xd9: {  	_ =	swait.ge [sflag:s12], $0x2800  }
0xda: {  	[sflag:s12] =	ssyncset.done $0x0  }
0xdb: {  	s18 =	simm.s32 $0x16000;
	[sflag:s12] =	ssyncadd.s32 $0xFFFFD800  }
0xdc: {  	[tilespmem:s11], [sflag:$0x2] =	stream.indirect.gather [hbm4b:s8+s0], $0x80, s18, s0, $0xb8;
	[tilespmem:$0x1D080] =	vst v63  }
0xdd: {  	s20 =	simm.s32 $0x17F80  }
0xde: {  	[spmem:s1] =	stream.indirect.scatter.add.f32 [tilespmem:s3], [sflag:$0x3], $0x80, s20, s0, $0xb8;
	[tilespmem:$0x1D080] =	vst v63  }
0xdf: {  	_ =	swait.ge [sflag:s28], $0x2800  }
0xe0: {  	[sflag:s28] =	ssyncset.done $0x0  }
0xe1: {  	[sflag:s28] =	ssyncadd.s32 $0xFFFFD800  }
0xe2: {  	_ =	swait.ge [sflag:s14], $0x2800  }
0xe3: {  	[sflag:s14] =	ssyncset.done $0x0  }
0xe4: {  	s19 =	simm.s32 $0x18000;
	[sflag:s14] =	ssyncadd.s32 $0xFFFFD800  }
0xe5: {  	[spmem:s1] =	stream.indirect.scatter.add.f32 [tilespmem:s11], [sflag:$0x4], $0x80, s19, s0, $0xb8;
	[tilespmem:$0x1D080] =	vst v63  }
0xe6: {  	_ =	swait.ge [sflag:s16], $0x2800  }
0xe7: {  	[sflag:s16] =	ssyncset.done $0x0  }
0xe8: {  	s20 =	sadd.s32 $0x400, s6;
	[sflag:s16] =	ssyncadd.s32 $0xFFFFD800  }
0xe9: {  	[tilespmem:s29], [sflag:$0x5] =	stream.linear.gather [hbm4b:s20+s2], $0x1E80, $0x38;
	[tilespmem:$0x1D080] =	vst v63  }
0xea: {  	_ =	swait.ge [sflag:s30], $0x1E80  }
0xeb: {  	[sflag:s30] =	ssyncset.done $0x0  }
0xec: {  	s19 =	sadd.s32 $0x400, s7;
	[sflag:s30] =	ssyncadd.s32 $0xFFFFE180  }
0xed: {  	[tilespmem:s31], [sflag:$0x5] =	stream.linear.gather [hbm4b:s19+s2], $0x1E80, $0x38;
	[tilespmem:$0x1D080] =	vst v63  }
0xee: {  	_ =	swait.ge [sflag:s30], $0x1E80  }
0xef: {  	[sflag:s30] =	ssyncset.done $0x0  }
0xf0: {  	[sflag:s30] =	ssyncadd.s32 $0xFFFFE180  }
0xf1: {  	[tilespmem:s3], [sflag:$0x1] =	stream.indirect.gather [hbm4b:s8+s0], $0x80, s29, s0, $0xb8;
	[tilespmem:$0x1D080] =	vst v63  }
0xf2: {  	_ = 	snop  }
0xf3: {  	[tilespmem:s11], [sflag:$0x2] =	stream.indirect.gather [hbm4b:s8+s0], $0x80, s10, s0, $0xb8;
	[tilespmem:$0x1D080] =	vst v63  }
0xf4: {  	_ =	swait.ge [sflag:s12], $0x2800  }
0xf5: {  	[sflag:s12] =	ssyncset.done $0x0  }
0xf6: {  	[sflag:s12] =	ssyncadd.s32 $0xFFFFD800  }
0xf7: {  	[spmem:s1] =	stream.indirect.scatter.add.f32 [tilespmem:s3], [sflag:$0x3], $0x80, s31, s0, $0xb8;
	[tilespmem:$0x1D080] =	vst v63  }
0xf8: {  	_ =	swait.ge [sflag:s28], $0x2800  }
0xf9: {  	[sflag:s28] =	ssyncset.done $0x0  }
0xfa: {  	[sflag:s28] =	ssyncadd.s32 $0xFFFFD800  }
0xfb: {  	[tilespmem:s3], [sflag:$0x1] =	stream.indirect.gather [hbm4b:s8+s0], $0x80, s13, s0, $0xb8;
	[tilespmem:$0x1D080] =	vst v63  }
0xfc: {  	_ =	swait.ge [sflag:s14], $0x2800  }
0xfd: {  	[sflag:s14] =	ssyncset.done $0x0  }
0xfe: {  	[sflag:s14] =	ssyncadd.s32 $0xFFFFD800  }
0xff: {  	[spmem:s1] =	stream.indirect.scatter.add.f32 [tilespmem:s11], [sflag:$0x4], $0x80, s15, s0, $0xb8;
	[tilespmem:$0x1D080] =	vst v63  }
0x100: {  	_ =	swait.ge [sflag:s16], $0x2800  }
0x101: {  	[sflag:s16] =	ssyncset.done $0x0  }
0x102: {  	s20 =	simm.s32 $0x14200;
	[sflag:s16] =	ssyncadd.s32 $0xFFFFD800  }
0x103: {  	[tilespmem:s11], [sflag:$0x2] =	stream.indirect.gather [hbm4b:s8+s0], $0x80, s20, s0, $0xb8;
	[tilespmem:$0x1D080] =	vst v63  }
0x104: {  	_ =	swait.ge [sflag:s12], $0x2800  }
0x105: {  	[sflag:s12] =	ssyncset.done $0x0  }
0x106: {  	s19 =	simm.s32 $0x16180;
	[sflag:s12] =	ssyncadd.s32 $0xFFFFD800  }
0x107: {  	[spmem:s1] =	stream.indirect.scatter.add.f32 [tilespmem:s3], [sflag:$0x3], $0x80, s19, s0, $0xb8;
	[tilespmem:$0x1D080] =	vst v63  }
0x108: {  	_ =	swait.ge [sflag:s28], $0x2800  }
0x109: {  	[sflag:s28] =	ssyncset.done $0x0  }
0x10a: {  	s20 =	simm.s32 $0x14280;
	[sflag:s28] =	ssyncadd.s32 $0xFFFFD800  }
0x10b: {  	[tilespmem:s3], [sflag:$0x1] =	stream.indirect.gather [hbm4b:s8+s0], $0x80, s20, s0, $0xb8;
	[tilespmem:$0x1D080] =	vst v63  }
0x10c: {  	_ =	swait.ge [sflag:s14], $0x2800  }
0x10d: {  	[sflag:s14] =	ssyncset.done $0x0  }
0x10e: {  	s18 =	simm.s32 $0xFFFF9000;
	s19 =	simm.s32 $0x16200;
	[sflag:s14] =	ssyncadd.s32 $0xFFFFD800  }
.LBB2_8:
0x10f: {  	[spmem:s1] =	stream.indirect.scatter.add.f32 [tilespmem:s11], [sflag:$0x4], $0x80, s19, s0, $0xb8;
	[tilespmem:$0x1D080] =	vst v63  }
0x110: {  	s19 =	smov.u32 s18  }
0x111: {  	p1 =	sne.s32 s18, $0xFFFFFC00;
	s18 =	sadd.s32 $0x400, s18;
	_ =	swait.ge [sflag:s16], $0x2800  }
0x112: {  	s19 =	sshra.s32 s19, $0x2;
	[sflag:s16] =	ssyncset.done $0x0  }
0x113: {  	s20 =	sadd.s32 $0x15F00, s19;
	[sflag:s16] =	ssyncadd.s32 $0xFFFFD800  }
0x114: {  	[tilespmem:s11], [sflag:$0x2] =	stream.indirect.gather [hbm4b:s8+s0], $0x80, s20, s0, $0xb8;
	[tilespmem:$0x1D080] =	vst v63  }
0x115: {  	_ =	swait.ge [sflag:s12], $0x2800  }
0x116: {  	[sflag:s12] =	ssyncset.done $0x0  }
0x117: {  	s20 =	sadd.s32 $0x17E80, s19;
	[sflag:s12] =	ssyncadd.s32 $0xFFFFD800  }
0x118: {  	[spmem:s1] =	stream.indirect.scatter.add.f32 [tilespmem:s3], [sflag:$0x3], $0x80, s20, s0, $0xb8;
	[tilespmem:$0x1D080] =	vst v63  }
0x119: {  	_ =	swait.ge [sflag:s28], $0x2800  }
0x11a: {  	[sflag:s28] =	ssyncset.done $0x0  }
.Ltmp3:
0x11b: {  	s20 =	sadd.s32 $0x15F80, s19;
	[sflag:s28] =	ssyncadd.s32 $0xFFFFD800;
	(pc) =	sbr.rel @p1 .LBB2_8-.Ltmp3, $4  }
0x11c: {  	[tilespmem:s3], [sflag:$0x1] =	stream.indirect.gather [hbm4b:s8+s0], $0x80, s20, s0, $0xb8;
	[tilespmem:$0x1D080] =	vst v63  }
0x11d: {  	_ =	swait.ge [sflag:s14], $0x2800  }
0x11e: {  	[sflag:s14] =	ssyncset.done $0x0  }
0x11f: {  	s19 =	sadd.s32 $0x17F00, s19;
	[sflag:s14] =	ssyncadd.s32 $0xFFFFD800  }
0x120: {  	[spmem:s1] =	stream.indirect.scatter.add.f32 [tilespmem:s11], [sflag:$0x4], $0x80, s19, s0, $0xb8;
	[tilespmem:$0x1D080] =	vst v63  }
0x121: {  	_ =	swait.ge [sflag:s16], $0x2800  }
0x122: {  	[sflag:s16] =	ssyncset.done $0x0  }
0x123: {  	[sflag:s16] =	ssyncadd.s32 $0xFFFFD800  }
0x124: {  	_ =	swait.ge [sflag:s12], $0x2800  }
0x125: {  	[sflag:s12] =	ssyncset.done $0x0  }
0x126: {  	s18 =	simm.s32 $0x17E80;
	[sflag:s12] =	ssyncadd.s32 $0xFFFFD800  }
0x127: {  	[spmem:s1] =	stream.indirect.scatter.add.f32 [tilespmem:s3], [sflag:$0x3], $0x80, s18, s0, $0xb8;
	[tilespmem:$0x1D080] =	vst v63  }
0x128: {  	_ =	swait.ge [sflag:s28], $0x2800  }
0x129: {  	[sflag:s28] =	ssyncset.done $0x0  }
0x12a: {  	s19 =	stileid.u32;
	[sflag:s28] =	ssyncadd.s32 $0xFFFFD800  }
0x12b: {  	s18 =	sshll.u32 s19, $0x6;
	[bflag:$0x0] =	sbarrier.arrive $0xFFFF  }
0x12c: {  	s19 =	sshrl.u32 s4, $0x3;
	s18 =	sor.u32 $0x1C05, s18;
	s20 =	rddreg [dreg:$0x15]  }
0x12d: {  	[hbm:s20], [sflag:s18] =	dma.local [spmem:s19], $0x2700  }
0x12e: {  	_ =	swait.ge [sflag:s30], $0x2700  }
0x12f: {  	[sflag:s30] =	ssyncset.done $0x0;
	s19 =	rddreg [dreg:$0x5]  }
0x130: {  	s20 =	sshrl.u32 @!p0 s5, $0x3;
	[sflag:s30] =	ssyncadd.s32 $0xFFFFD900;
	s19 =	sadd.s32 @!p0 $0x27000, s19  }
0x131: {  	[hbm:s19], [sflag:s18] =	dma.local @!p0 [spmem:s20], $0x100  }
0x132: {  	s18 =	simm.s32 @!p0 $0x5  }
0x133: {  	_ =	swait.ge @!p0 [sflag:s18], $0x100  }
0x134: {  	s17 =	sadd.s32 $0x1, s17;
	s20 =	rddreg [dreg:$0x6]  }
0x135: {  	p1 =	sne.s32 s17, s20  }
.Ltmp4:
0x136: {  	_ = 	snop;
	(pc) =	sbr.rel @p1 .LBB2_1-.Ltmp4, $3  }
0x137: {  	_ =	sdelay $0x1  }
0x138: {  	[sflag:s18] =	ssyncset.done @!p0 $0x0  }
0x139: {  	[sflag:s18] =	ssyncadd.s32 @!p0 $0xFFFFFF00  }
0x13a: {  	_ =	sfence.sel $0x180000  }
0x13b: {  	[bflag:$0x0] =	sbarrier.arrive $0xFFFF  }
0x13c: {  	_ =	strace $0x90000047  }
0x13d: {  	[bflag:$0x2] =	sbarrier.arrive $0xFFFF  }
0x13e: {  	s0 =	rddreg [dreg:$0x4]  }
0x13f: {  	s0 =	sadd.s32 @!p0 $0x100000, s0  }
0x140: {  	[sflag:s0] =	ssyncadd.tile.s32 @!p0 $0x1;
	_ =	shalt  }
.Lfunc_end2:
_tile_overlayer_lowered:
.L_overlay_start_2:
0x141: {  	(tag) =	ssettag $0x2  }
0x142: {  	s0 =	rddreg [dreg:$0x0];
	s2 =	stileid.u32  }
0x143: {  	s1 =	rddreg [dreg:$0x1];
	p0 =	sne.s32 s2, $0x0  }
0x144: {  	s3 =	rddreg [dreg:$0x2];
	[bflag:$0x3] =	sbarrier.arrive $0xFFFF;
	s2 =	simm.s32 @!p0 $0x1C05  }
0x145: {  	[timem:s3], [sflag:s2] =	dma.local @!p0 [hbm:s0], s1  }
0x146: {  	s0 =	simm.s32 @!p0 $0x5  }
0x147: {  	_ =	swait.ge @!p0 [sflag:s0], s1  }
0x148: {  	s1 =	ssub.s32 @!p0 $0x0, s1;
	[sflag:s0] =	ssyncset.done @!p0 $0x0  }
0x149: {  	[sflag:s0] =	ssyncadd.s32 @!p0 s1  }
0x14a: {  	[bflag:$0x3] =	sbarrier.arrive $0xFFFF  }
0x14b: {  	_ =	shalt  }

</sc_bundles>
